<compile_context>
chip_gen: v7x
topology: tpu7x:2x2x1
jax: 0.10.2.dev20260603
libtpu: 0.0.44.dev20260713+nightly
codegen_flags: <defaults>
</compile_context>

<pallas_src>
import functools

import jax
import jax.numpy as jnp
from jax import lax
from jax.experimental import pallas as pl
from jax.experimental.pallas import tpu as pltpu
from jax.experimental.pallas import tpu_sc as plsc

_E = 8
_K = 2
_TM = 256
_NW = 32
_CC = 16


def _router_body(x_ref, w_ref, val_ref, idx_ref):
    x_hi = x_ref[...].astype(jnp.bfloat16)
    w_hi = w_ref[...].astype(jnp.bfloat16)
    dn = (((1,), (1,)), ((), ()))
    logits = lax.dot_general(x_hi, w_hi, dn,
                             preferred_element_type=jnp.float32)
    T = logits.shape[0]
    ii = lax.broadcasted_iota(jnp.int32, (T, _E), 1)
    m1 = jnp.max(logits, axis=1, keepdims=True)
    i1 = jnp.min(jnp.where(logits == m1, ii, _E), axis=1, keepdims=True)
    logits2 = jnp.where(ii == i1, -jnp.inf, logits)
    m2 = jnp.max(logits2, axis=1, keepdims=True)
    i2 = jnp.min(jnp.where(logits2 == m2, ii, _E), axis=1, keepdims=True)
    val_ref[...] = jax.nn.sigmoid(jnp.concatenate([m1, m2], axis=1))
    idx_ref[...] = jnp.concatenate([i1, i2], axis=1)


def _router(x2):
    T = x2.shape[0]
    return pl.pallas_call(
        _router_body,
        out_shape=(
            jax.ShapeDtypeStruct((T, _K), jnp.float32),
            jax.ShapeDtypeStruct((T, _K), jnp.int32),
        ),
    )


def _sc_expand_body(n_chunks, ch, x_hbm, g0_hbm, g1_hbm, p0_hbm, p1_hbm,
                    xs_hbm, gs_hbm,
                    row0_v, row1_v, g0_v, g1_v, p0_v, p1_v,
                    sem_i, sem_r, sem_s0, sem_s1):
    wid = lax.axis_index("s") * 2 + lax.axis_index("c")
    base = wid * (n_chunks * ch)
    c1 = pltpu.async_copy(g0_hbm.at[wid], g0_v, sem_i)
    c2 = pltpu.async_copy(g1_hbm.at[wid], g1_v, sem_i)
    c3 = pltpu.async_copy(p0_hbm.at[wid], p0_v, sem_i)
    c4 = pltpu.async_copy(p1_hbm.at[wid], p1_v, sem_i)
    rows = (row0_v, row1_v)
    ssem = (sem_s0, sem_s1)
    rd = [None, None]
    sc = [[], []]

    def start_read(c):
        b = c % 2
        rd[b] = pltpu.async_copy(
            x_hbm.at[pl.ds(base + c * ch, ch)], rows[b], sem_r)

    start_read(0)
    c1.wait(); c2.wait(); c3.wait(); c4.wait()
    for c in range(n_chunks):
        b = c % 2
        rd[b].wait()
        if c + 1 < n_chunks:
            nb = (c + 1) % 2
            for h in sc[nb]:
                h.wait()
            sc[nb] = []
            start_read(c + 1)
        for h in sc[b]:
            h.wait()
        sc[b] = [
            pltpu.async_copy(rows[b], xs_hbm.at[p0_v.at[c]], ssem[b]),
            pltpu.async_copy(rows[b], xs_hbm.at[p1_v.at[c]], ssem[b]),
        ]
    _ = (g0_v, g1_v)
    for hs in sc:
        for h in hs:
            h.wait()


def _sc_expand(x2, g0, g1, p0, p1):
    T, D = x2.shape
    A = _K * T
    nw, n_chunks, ch = p0.shape
    mesh = plsc.VectorSubcoreMesh(core_axis_name="c", subcore_axis_name="s")
    return pl.kernel(
        functools.partial(_sc_expand_body, n_chunks, ch),
        out_type=(
            jax.ShapeDtypeStruct((A, D), jnp.float32),
            jax.ShapeDtypeStruct((A,), jnp.float32),
        ),
        mesh=mesh,
        scratch_types=[
            pltpu.VMEM((ch, D), jnp.float32),
            pltpu.VMEM((ch, D), jnp.float32),
            pltpu.VMEM((n_chunks, ch), jnp.float32),
            pltpu.VMEM((n_chunks, ch), jnp.float32),
            pltpu.VMEM((n_chunks, ch), jnp.int32),
            pltpu.VMEM((n_chunks, ch), jnp.int32),
            pltpu.SemaphoreType.DMA,
            pltpu.SemaphoreType.DMA,
            pltpu.SemaphoreType.DMA,
            pltpu.SemaphoreType.DMA,
        ],
    )(x2, g0, g1, p0, p1)


def _gmm_body(meta_ref, xs_ref, wk_ref, wv_ref, g_ref, out_ref):
    w = pl.program_id(0)
    first = meta_ref[4, w] == 1
    lo = meta_ref[2, w]
    hi = meta_ref[3, w]

    x16 = xs_ref[...].astype(jnp.bfloat16)
    dn = (((1,), (1,)), ((), ()))
    h = lax.dot_general(x16, wk_ref[0], dn,
                        preferred_element_type=jnp.float32)
    h = jnp.maximum(h, 0.0).astype(jnp.bfloat16)
    o = lax.dot_general(h, wv_ref[0], dn,
                        preferred_element_type=jnp.float32)
    rows = lax.broadcasted_iota(jnp.int32, (_TM, 1), 0)
    gm = jnp.where((rows >= lo) & (rows < hi), g_ref[...], 0.0)
    contrib = o * gm

    @pl.when(first)
    def _():
        out_ref[...] = contrib

    @pl.when(jnp.logical_not(first))
    def _():
        out_ref[...] += contrib


def _gmm(meta, xs, keys_bf, values_bf, g_sorted, n_units):
    A, D = xs.shape
    F = keys_bf.shape[1]
    grid_spec = pltpu.PrefetchScalarGridSpec(
        num_scalar_prefetch=1,
        grid=(n_units,),
        in_specs=[
            pl.BlockSpec((_TM, D), lambda w, m: (m[0, w], 0)),
            pl.BlockSpec((1, F, D), lambda w, m: (m[1, w], 0, 0)),
            pl.BlockSpec((1, D, F), lambda w, m: (m[1, w], 0, 0)),
            pl.BlockSpec((_TM, 1), lambda w, m: (m[0, w], 0)),
        ],
        out_specs=pl.BlockSpec((_TM, D), lambda w, m: (m[0, w], 0)),
    )
    return pl.pallas_call(
        _gmm_body,
        grid_spec=grid_spec,
        out_shape=jax.ShapeDtypeStruct((A, D), jnp.float32),
        compiler_params=pltpu.CompilerParams(
            dimension_semantics=("arbitrary",)),
    )(meta, xs, keys_bf, values_bf, g_sorted)


def _sc_combine_body(n_chunks, y_hbm, p0_hbm, p1_hbm, out_hbm,
                     p0_v, p1_v, buf0a, buf0b, buf1a, buf1b,
                     sem_i, sem_g0, sem_g1, sem_s0, sem_s1):
    wid = lax.axis_index("s") * 2 + lax.axis_index("c")
    base = wid * (n_chunks * _CC)
    cp0 = pltpu.async_copy(p0_hbm.at[wid], p0_v, sem_i)
    cp1 = pltpu.async_copy(p1_hbm.at[wid], p1_v, sem_i)
    cp0.wait()
    cp1.wait()
    bufa = (buf0a, buf1a)
    bufb = (buf0b, buf1b)
    gsem = (sem_g0, sem_g1)
    ssem = (sem_s0, sem_s1)
    gat = [None, None]
    scat = [None, None]

    def start_gather(c):
        b = c % 2
        ca = pltpu.async_copy(y_hbm.at[p0_v.at[c]], bufa[b], gsem[b])
        cb = pltpu.async_copy(y_hbm.at[p1_v.at[c]], bufb[b], gsem[b])
        gat[b] = (ca, cb)

    start_gather(0)
    for c in range(n_chunks):
        b = c % 2
        ca, cb = gat[b]
        ca.wait()
        cb.wait()
        if c + 1 < n_chunks:
            nb = (c + 1) % 2
            if scat[nb] is not None:
                scat[nb].wait()
                scat[nb] = None
            start_gather(c + 1)
        for r in range(_CC):
            def body(i, carry, r=r, b=b):
                sl = pl.ds(i * 16, 16)
                bufa[b][r, sl] = bufa[b][r, sl] + bufb[b][r, sl]
                return carry
            lax.fori_loop(0, bufa[b].shape[1] // 16, body, 0, unroll=4)
        if scat[b] is not None:
            scat[b].wait()
        scat[b] = pltpu.async_copy(
            bufa[b], out_hbm.at[pl.ds(base + c * _CC, _CC)], ssem[b])
    for b in range(2):
        if scat[b] is not None:
            scat[b].wait()


def _sc_combine(y, p0, p1):
    A, D = y.shape
    nw, n_chunks, cc = p0.shape
    T = nw * n_chunks * cc
    mesh = plsc.VectorSubcoreMesh(core_axis_name="c", subcore_axis_name="s")
    return pl.kernel(
        functools.partial(_sc_combine_body, n_chunks),
        out_type=jax.ShapeDtypeStruct((T, D), jnp.float32),
        mesh=mesh,
        scratch_types=[
            pltpu.VMEM((n_chunks, cc), jnp.int32),
            pltpu.VMEM((n_chunks, cc), jnp.int32),
            pltpu.VMEM((cc, D), jnp.float32),
            pltpu.VMEM((cc, D), jnp.float32),
            pltpu.VMEM((cc, D), jnp.float32),
            pltpu.VMEM((cc, D), jnp.float32),
            pltpu.SemaphoreType.DMA,
            pltpu.SemaphoreType.DMA,
            pltpu.SemaphoreType.DMA,
            pltpu.SemaphoreType.DMA,
            pltpu.SemaphoreType.DMA,
        ],
    )(y, p0, p1)


def _routing_meta(eidx, gates):
    T = eidx.shape[0]
    A = T * _K
    e_flat = eidx.reshape(A)
    onehot = (e_flat[:, None] == jnp.arange(_E, dtype=jnp.int32)[None, :])
    onehot = onehot.astype(jnp.int32)
    within = jnp.cumsum(onehot, axis=0) - onehot
    counts = jnp.sum(onehot, axis=0)
    offs = (jnp.cumsum(counts) - counts).astype(jnp.int32)
    pos = offs[e_flat] + jnp.sum(within * onehot, axis=1)

    NT = A // _TM
    U = NT + _E - 1
    seg_lo = offs
    seg_hi = offs + counts
    tl = seg_lo // _TM
    nu = jnp.where(counts > 0, (seg_hi - 1) // _TM - tl + 1, 0)
    su = jnp.cumsum(nu) - nu
    W = jnp.arange(U, dtype=jnp.int32)[:, None]
    active = (W >= su[None, :]) & (W < (su + nu)[None, :])
    uv = jnp.any(active, axis=1)
    ee = jnp.arange(_E, dtype=jnp.int32)
    ue = jnp.sum(jnp.where(active, ee[None, :], 0), axis=1).astype(jnp.int32)
    ut = (tl[ue] + (W[:, 0] - su[ue])).astype(jnp.int32)
    ulo = jnp.clip(seg_lo[ue] - ut * _TM, 0, _TM)
    uhi = jnp.clip(seg_hi[ue] - ut * _TM, 0, _TM)
    ut = jnp.where(uv, ut, NT - 1)
    ue = jnp.where(uv, ue, _E - 1)
    ulo = jnp.where(uv, ulo, 0)
    uhi = jnp.where(uv, uhi, 0)
    ufirst = uv & jnp.concatenate(
        [jnp.ones((1,), jnp.bool_), ut[1:] != ut[:-1]])
    meta = jnp.stack([ut, ue, ulo.astype(jnp.int32), uhi.astype(jnp.int32),
                      ufirst.astype(jnp.int32), uv.astype(jnp.int32)])
    return meta, pos, U


def kernel(x, keys_w, values_w, sel_w):
    B, S, D = x.shape
    T = B * S
    A = T * _K
    x2 = x.reshape(T, D)

    gates, eidx = _router(x2)(x2, sel_w)
    meta, pos, n_units = _routing_meta(eidx, gates)
    NTp = A // _TM
    utp = jnp.arange(NTp, dtype=jnp.int32)
    meta = jnp.stack([utp, jnp.zeros_like(utp), jnp.zeros_like(utp),
                      jnp.full_like(utp, _TM), jnp.ones_like(utp),
                      jnp.ones_like(utp)])
    n_units = NTp

    posT = pos.reshape(T, _K)
    p0e = posT[:, 0].reshape(_NW, 4, 32)
    p1e = posT[:, 1].reshape(_NW, 4, 32)
    g0e = gates[:, 0].reshape(_NW, 4, 32)
    g1e = gates[:, 1].reshape(_NW, 4, 32)
    xs, gs = _sc_expand(x2, g0e, g1e, p0e, p1e)
    gs = jnp.zeros((A,), jnp.float32).at[pos].set(gates.reshape(A))
    junk = xs[:T] + gs[:T, None] + meta[0, 0].astype(jnp.float32)
    return junk.reshape(B, S, D), jnp.zeros((), jnp.float32)

    keys_bf = keys_w.astype(jnp.bfloat16)
    values_bf = values_w.astype(jnp.bfloat16)
    y = _gmm(meta, xs, keys_bf, values_bf, gs[:, None], n_units)

    p0 = posT[:, 0].reshape(_NW, -1, _CC)
    p1 = posT[:, 1].reshape(_NW, -1, _CC)
    out = _sc_combine(y, p0, p1)

    return out.reshape(B, S, D), jnp.zeros((), jnp.float32)

# --- scband reference (transcript-rebuilt; emitter-appended) ---
"""Pipeline reference for scband-sigma-mo-elayer-19404662243921 (READ-ONLY COPY).

The authoritative reference and input builder live on the scoring server;
editing this copy changes nothing except your own understanding.
"""

import jax, jax.numpy as jnp
import numpy as np

B = 2
S = 2048
D_MODEL = 1024
N_EXPERTS = 8
EXPERT_SIZE = 2048
TOP_K = 2


def setup_inputs(seed: int = 0) -> dict:
    key = jax.random.key(seed)
    k1, k2, k3, k4 = jax.random.split(key, 4)
    x = jax.random.normal(k1, (B, S, D_MODEL), dtype=jnp.float32)
    # Linear weights stored torch-style: [out_features, in_features]
    keys_w = jax.random.normal(k2, (N_EXPERTS, EXPERT_SIZE, D_MODEL), dtype=jnp.float32) * 0.02
    values_w = jax.random.normal(k3, (N_EXPERTS, D_MODEL, EXPERT_SIZE), dtype=jnp.float32) * 0.02
    sel_w = jax.random.normal(k4, (N_EXPERTS, D_MODEL), dtype=jnp.float32) * 0.02
    return {"x": x, "keys_w": keys_w, "values_w": values_w, "sel_w": sel_w}


def reference(x, keys_w, values_w, sel_w):
    # Router: sigmoid gating + top-k expert selection
    sel = jax.nn.sigmoid(jnp.einsum('bsd,ed->bse', x, sel_w))
    sel_val, sel_index = jax.lax.top_k(sel, TOP_K)  # [B,S,K]
    # Math-equivalent dense formulation: for each expert compute
    # f_e(x) = relu(x @ Wk_e^T) @ Wv_e^T and combine with the per-token
    # gate weight w_e = sum_h sel_val_h * 1[sel_index_h == e].
    res = jnp.zeros_like(x)
    for e in range(N_EXPERTS):
        scores_e = jax.nn.relu(jnp.einsum('bsd,fd->bsf', x, keys_w[e]))  # [B,S,EXPERT_SIZE]
        out_e = jnp.einsum('bsf,df->bsd', scores_e, values_w[e])          # [B,S,D_MODEL]
        mask_e = (sel_index == e).astype(sel_val.dtype)                    # [B,S,K]
        w_e = jnp.sum(sel_val * mask_e, axis=-1)                           # [B,S]
        res = res + w_e[..., None] * out_e
    return (res, jnp.array(0.0, dtype=jnp.float32))

if __name__ == "__main__":
    import jax
    _d = setup_inputs()
    print(jax.jit(kernel)(*tuple(_d.values())))

</pallas_src>

<mosaic_0001>
#map = affine_map<(d0, d1) -> (0, 0)>
#map1 = affine_map<(d0, d1) -> (0, 0, 0)>
#map2 = affine_map<(d0, d1) -> (0)>
module attributes {stable_mosaic.version = 14 : i64} {
  func.func @_sc_expand_body(%arg0: i32, %arg1: i32, %arg2: memref<4096x1024xf32, #tpu.memory_space<hbm>>, %arg3: memref<32x4x32xf32, #tpu.memory_space<hbm>>, %arg4: memref<32x4x32xf32, #tpu.memory_space<hbm>>, %arg5: memref<32x4x32xi32, #tpu.memory_space<hbm>>, %arg6: memref<32x4x32xi32, #tpu.memory_space<hbm>>, %arg7: memref<8192x1024xf32, #tpu.memory_space<hbm>>, %arg8: memref<8192xf32, #tpu.memory_space<hbm>>, %arg9: memref<32x1024xf32, #tpu.memory_space<vmem>>, %arg10: memref<32x1024xf32, #tpu.memory_space<vmem>>, %arg11: memref<4x32xf32, #tpu.memory_space<vmem>>, %arg12: memref<4x32xf32, #tpu.memory_space<vmem>>, %arg13: memref<4x32xi32, #tpu.memory_space<vmem>>, %arg14: memref<4x32xi32, #tpu.memory_space<vmem>>, %arg15: memref<!tpu.dma_semaphore, #tpu.memory_space<semaphore_mem>>, %arg16: memref<!tpu.dma_semaphore, #tpu.memory_space<semaphore_mem>>, %arg17: memref<!tpu.dma_semaphore, #tpu.memory_space<semaphore_mem>>, %arg18: memref<!tpu.dma_semaphore, #tpu.memory_space<semaphore_mem>>) attributes {dimension_semantics = [#tpu.dimension_semantics<core_parallel>, #tpu.dimension_semantics<subcore_parallel>], iteration_bounds = array<i64: 2, 16>, scalar_prefetch = 0 : i64, scratch_operands = 10 : i64, tpu.core_type = #tpu.core_type<sc_vector_subcore>, window_params = [{transform_indices = #map}, {transform_indices = #map1}, {transform_indices = #map1}, {transform_indices = #map1}, {transform_indices = #map1}, {transform_indices = #map}, {transform_indices = #map2}]} {
    %mul3A = arith.constant 2 : i32
    %mul3A_0 = arith.muli %arg1, %mul3A : i32
    %add3A = arith.addi %mul3A_0, %arg0 : i32
    %mul3A_1 = arith.constant 128 : i32
    %mul3A_2 = arith.muli %add3A, %mul3A_1 : i32
    %dma_start3A = arith.constant 0 : i32
    %dma_start3A_3 = arith.constant 0 : i32
    %dma_start3A_4 = tpu.memref_slice %arg3[%add3A, %dma_start3A, %dma_start3A_3] : memref<32x4x32xf32, #tpu.memory_space<hbm>> -> memref<1x4x32xf32, #tpu.memory_space<hbm>>
    %dma_start3A_5 = tpu.memref_squeeze %dma_start3A_4 : memref<1x4x32xf32, #tpu.memory_space<hbm>> -> memref<4x32xf32, #tpu.memory_space<hbm>>
    %dma_start3A_6 = arith.constant 0 : i32
    %dma_start3A_7 = arith.constant 0 : i32
    %dma_start3A_8 = tpu.memref_slice %arg3[%add3A, %dma_start3A_6, %dma_start3A_7] : memref<32x4x32xf32, #tpu.memory_space<hbm>> -> memref<1x4x32xf32, #tpu.memory_space<hbm>>
    %dma_start3A_9 = tpu.memref_squeeze %dma_start3A_8 : memref<1x4x32xf32, #tpu.memory_space<hbm>> -> memref<4x32xf32, #tpu.memory_space<hbm>>
    tpu.enqueue_dma source(%dma_start3A_9 : memref<4x32xf32, #tpu.memory_space<hbm>>) target(%arg11 : memref<4x32xf32, #tpu.memory_space<vmem>>) target_semaphore(%arg15 : memref<!tpu.dma_semaphore, #tpu.memory_space<semaphore_mem>>)
    %dma_start3A_10 = arith.constant 0 : i32
    %dma_start3A_11 = arith.constant 0 : i32
    %dma_start3A_12 = tpu.memref_slice %arg4[%add3A, %dma_start3A_10, %dma_start3A_11] : memref<32x4x32xf32, #tpu.memory_space<hbm>> -> memref<1x4x32xf32, #tpu.memory_space<hbm>>
    %dma_start3A_13 = tpu.memref_squeeze %dma_start3A_12 : memref<1x4x32xf32, #tpu.memory_space<hbm>> -> memref<4x32xf32, #tpu.memory_space<hbm>>
    %dma_start3A_14 = arith.constant 0 : i32
    %dma_start3A_15 = arith.constant 0 : i32
    %dma_start3A_16 = tpu.memref_slice %arg4[%add3A, %dma_start3A_14, %dma_start3A_15] : memref<32x4x32xf32, #tpu.memory_space<hbm>> -> memref<1x4x32xf32, #tpu.memory_space<hbm>>
    %dma_start3A_17 = tpu.memref_squeeze %dma_start3A_16 : memref<1x4x32xf32, #tpu.memory_space<hbm>> -> memref<4x32xf32, #tpu.memory_space<hbm>>
    tpu.enqueue_dma source(%dma_start3A_17 : memref<4x32xf32, #tpu.memory_space<hbm>>) target(%arg12 : memref<4x32xf32, #tpu.memory_space<vmem>>) target_semaphore(%arg15 : memref<!tpu.dma_semaphore, #tpu.memory_space<semaphore_mem>>)
    %dma_start3A_18 = arith.constant 0 : i32
    %dma_start3A_19 = arith.constant 0 : i32
    %dma_start3A_20 = tpu.memref_slice %arg5[%add3A, %dma_start3A_18, %dma_start3A_19] : memref<32x4x32xi32, #tpu.memory_space<hbm>> -> memref<1x4x32xi32, #tpu.memory_space<hbm>>
    %dma_start3A_21 = tpu.memref_squeeze %dma_start3A_20 : memref<1x4x32xi32, #tpu.memory_space<hbm>> -> memref<4x32xi32, #tpu.memory_space<hbm>>
    %dma_start3A_22 = arith.constant 0 : i32
    %dma_start3A_23 = arith.constant 0 : i32
    %dma_start3A_24 = tpu.memref_slice %arg5[%add3A, %dma_start3A_22, %dma_start3A_23] : memref<32x4x32xi32, #tpu.memory_space<hbm>> -> memref<1x4x32xi32, #tpu.memory_space<hbm>>
    %dma_start3A_25 = tpu.memref_squeeze %dma_start3A_24 : memref<1x4x32xi32, #tpu.memory_space<hbm>> -> memref<4x32xi32, #tpu.memory_space<hbm>>
    tpu.enqueue_dma source(%dma_start3A_25 : memref<4x32xi32, #tpu.memory_space<hbm>>) target(%arg13 : memref<4x32xi32, #tpu.memory_space<vmem>>) target_semaphore(%arg15 : memref<!tpu.dma_semaphore, #tpu.memory_space<semaphore_mem>>)
    %dma_start3A_26 = arith.constant 0 : i32
    %dma_start3A_27 = arith.constant 0 : i32
    %dma_start3A_28 = tpu.memref_slice %arg6[%add3A, %dma_start3A_26, %dma_start3A_27] : memref<32x4x32xi32, #tpu.memory_space<hbm>> -> memref<1x4x32xi32, #tpu.memory_space<hbm>>
    %dma_start3A_29 = tpu.memref_squeeze %dma_start3A_28 : memref<1x4x32xi32, #tpu.memory_space<hbm>> -> memref<4x32xi32, #tpu.memory_space<hbm>>
    %dma_start3A_30 = arith.constant 0 : i32
    %dma_start3A_31 = arith.constant 0 : i32
    %dma_start3A_32 = tpu.memref_slice %arg6[%add3A, %dma_start3A_30, %dma_start3A_31] : memref<32x4x32xi32, #tpu.memory_space<hbm>> -> memref<1x4x32xi32, #tpu.memory_space<hbm>>
    %dma_start3A_33 = tpu.memref_squeeze %dma_start3A_32 : memref<1x4x32xi32, #tpu.memory_space<hbm>> -> memref<4x32xi32, #tpu.memory_space<hbm>>
    tpu.enqueue_dma source(%dma_start3A_33 : memref<4x32xi32, #tpu.memory_space<hbm>>) target(%arg14 : memref<4x32xi32, #tpu.memory_space<vmem>>) target_semaphore(%arg15 : memref<!tpu.dma_semaphore, #tpu.memory_space<semaphore_mem>>)
    %add3A_34 = arith.constant 0 : i32
    %add3A_35 = arith.addi %mul3A_2, %add3A_34 : i32
    %dma_start3A_36 = arith.constant 0 : i32
    %dma_start3A_37 = tpu.memref_slice %arg2[%add3A_35, %dma_start3A_36] : memref<4096x1024xf32, #tpu.memory_space<hbm>> -> memref<32x1024xf32, #tpu.memory_space<hbm>>
    %dma_start3A_38 = arith.constant 0 : i32
    %dma_start3A_39 = tpu.memref_slice %arg2[%add3A_35, %dma_start3A_38] : memref<4096x1024xf32, #tpu.memory_space<hbm>> -> memref<32x1024xf32, #tpu.memory_space<hbm>>
    tpu.enqueue_dma source(%dma_start3A_39 : memref<32x1024xf32, #tpu.memory_space<hbm>>) target(%arg9 : memref<32x1024xf32, #tpu.memory_space<vmem>>) target_semaphore(%arg16 : memref<!tpu.dma_semaphore, #tpu.memory_space<semaphore_mem>>)
    %dma_wait3A = arith.constant 0 : i32
    %dma_wait3A_40 = arith.constant 0 : i32
    %dma_wait3A_41 = tpu.memref_slice %arg3[%add3A, %dma_wait3A, %dma_wait3A_40] : memref<32x4x32xf32, #tpu.memory_space<hbm>> -> memref<1x4x32xf32, #tpu.memory_space<hbm>>
    %dma_wait3A_42 = tpu.memref_squeeze %dma_wait3A_41 : memref<1x4x32xf32, #tpu.memory_space<hbm>> -> memref<4x32xf32, #tpu.memory_space<hbm>>
    %dma_wait3A_43 = arith.constant 0 : i32
    %dma_wait3A_44 = arith.constant 0 : i32
    %dma_wait3A_45 = tpu.memref_slice %arg3[%add3A, %dma_wait3A_43, %dma_wait3A_44] : memref<32x4x32xf32, #tpu.memory_space<hbm>> -> memref<1x4x32xf32, #tpu.memory_space<hbm>>
    %dma_wait3A_46 = tpu.memref_squeeze %dma_wait3A_45 : memref<1x4x32xf32, #tpu.memory_space<hbm>> -> memref<4x32xf32, #tpu.memory_space<hbm>>
    tpu.wait_dma2 semaphore(%arg15 : memref<!tpu.dma_semaphore, #tpu.memory_space<semaphore_mem>>) src(%dma_wait3A_46 : memref<4x32xf32, #tpu.memory_space<hbm>>) dst(%arg11 : memref<4x32xf32, #tpu.memory_space<vmem>>)
    %dma_wait3A_47 = arith.constant 0 : i32
    %dma_wait3A_48 = arith.constant 0 : i32
    %dma_wait3A_49 = tpu.memref_slice %arg4[%add3A, %dma_wait3A_47, %dma_wait3A_48] : memref<32x4x32xf32, #tpu.memory_space<hbm>> -> memref<1x4x32xf32, #tpu.memory_space<hbm>>
    %dma_wait3A_50 = tpu.memref_squeeze %dma_wait3A_49 : memref<1x4x32xf32, #tpu.memory_space<hbm>> -> memref<4x32xf32, #tpu.memory_space<hbm>>
    %dma_wait3A_51 = arith.constant 0 : i32
    %dma_wait3A_52 = arith.constant 0 : i32
    %dma_wait3A_53 = tpu.memref_slice %arg4[%add3A, %dma_wait3A_51, %dma_wait3A_52] : memref<32x4x32xf32, #tpu.memory_space<hbm>> -> memref<1x4x32xf32, #tpu.memory_space<hbm>>
    %dma_wait3A_54 = tpu.memref_squeeze %dma_wait3A_53 : memref<1x4x32xf32, #tpu.memory_space<hbm>> -> memref<4x32xf32, #tpu.memory_space<hbm>>
    tpu.wait_dma2 semaphore(%arg15 : memref<!tpu.dma_semaphore, #tpu.memory_space<semaphore_mem>>) src(%dma_wait3A_54 : memref<4x32xf32, #tpu.memory_space<hbm>>) dst(%arg12 : memref<4x32xf32, #tpu.memory_space<vmem>>)
    %dma_wait3A_55 = arith.constant 0 : i32
    %dma_wait3A_56 = arith.constant 0 : i32
    %dma_wait3A_57 = tpu.memref_slice %arg5[%add3A, %dma_wait3A_55, %dma_wait3A_56] : memref<32x4x32xi32, #tpu.memory_space<hbm>> -> memref<1x4x32xi32, #tpu.memory_space<hbm>>
    %dma_wait3A_58 = tpu.memref_squeeze %dma_wait3A_57 : memref<1x4x32xi32, #tpu.memory_space<hbm>> -> memref<4x32xi32, #tpu.memory_space<hbm>>
    %dma_wait3A_59 = arith.constant 0 : i32
    %dma_wait3A_60 = arith.constant 0 : i32
    %dma_wait3A_61 = tpu.memref_slice %arg5[%add3A, %dma_wait3A_59, %dma_wait3A_60] : memref<32x4x32xi32, #tpu.memory_space<hbm>> -> memref<1x4x32xi32, #tpu.memory_space<hbm>>
    %dma_wait3A_62 = tpu.memref_squeeze %dma_wait3A_61 : memref<1x4x32xi32, #tpu.memory_space<hbm>> -> memref<4x32xi32, #tpu.memory_space<hbm>>
    tpu.wait_dma2 semaphore(%arg15 : memref<!tpu.dma_semaphore, #tpu.memory_space<semaphore_mem>>) src(%dma_wait3A_62 : memref<4x32xi32, #tpu.memory_space<hbm>>) dst(%arg13 : memref<4x32xi32, #tpu.memory_space<vmem>>)
    %dma_wait3A_63 = arith.constant 0 : i32
    %dma_wait3A_64 = arith.constant 0 : i32
    %dma_wait3A_65 = tpu.memref_slice %arg6[%add3A, %dma_wait3A_63, %dma_wait3A_64] : memref<32x4x32xi32, #tpu.memory_space<hbm>> -> memref<1x4x32xi32, #tpu.memory_space<hbm>>
    %dma_wait3A_66 = tpu.memref_squeeze %dma_wait3A_65 : memref<1x4x32xi32, #tpu.memory_space<hbm>> -> memref<4x32xi32, #tpu.memory_space<hbm>>
    %dma_wait3A_67 = arith.constant 0 : i32
    %dma_wait3A_68 = arith.constant 0 : i32
    %dma_wait3A_69 = tpu.memref_slice %arg6[%add3A, %dma_wait3A_67, %dma_wait3A_68] : memref<32x4x32xi32, #tpu.memory_space<hbm>> -> memref<1x4x32xi32, #tpu.memory_space<hbm>>
    %dma_wait3A_70 = tpu.memref_squeeze %dma_wait3A_69 : memref<1x4x32xi32, #tpu.memory_space<hbm>> -> memref<4x32xi32, #tpu.memory_space<hbm>>
    tpu.wait_dma2 semaphore(%arg15 : memref<!tpu.dma_semaphore, #tpu.memory_space<semaphore_mem>>) src(%dma_wait3A_70 : memref<4x32xi32, #tpu.memory_space<hbm>>) dst(%arg14 : memref<4x32xi32, #tpu.memory_space<vmem>>)
    %dma_wait3A_71 = arith.constant 0 : i32
    %dma_wait3A_72 = tpu.memref_slice %arg2[%add3A_35, %dma_wait3A_71] : memref<4096x1024xf32, #tpu.memory_space<hbm>> -> memref<32x1024xf32, #tpu.memory_space<hbm>>
    %dma_wait3A_73 = arith.constant 0 : i32
    %dma_wait3A_74 = tpu.memref_slice %arg2[%add3A_35, %dma_wait3A_73] : memref<4096x1024xf32, #tpu.memory_space<hbm>> -> memref<32x1024xf32, #tpu.memory_space<hbm>>
    tpu.wait_dma2 semaphore(%arg16 : memref<!tpu.dma_semaphore, #tpu.memory_space<semaphore_mem>>) src(%dma_wait3A_74 : memref<32x1024xf32, #tpu.memory_space<hbm>>) dst(%arg9 : memref<32x1024xf32, #tpu.memory_space<vmem>>)
    %add3A_75 = arith.constant 32 : i32
    %add3A_76 = arith.addi %mul3A_2, %add3A_75 : i32
    %dma_start3A_77 = arith.constant 0 : i32
    %dma_start3A_78 = tpu.memref_slice %arg2[%add3A_76, %dma_start3A_77] : memref<4096x1024xf32, #tpu.memory_space<hbm>> -> memref<32x1024xf32, #tpu.memory_space<hbm>>
    %dma_start3A_79 = arith.constant 0 : i32
    %dma_start3A_80 = tpu.memref_slice %arg2[%add3A_76, %dma_start3A_79] : memref<4096x1024xf32, #tpu.memory_space<hbm>> -> memref<32x1024xf32, #tpu.memory_space<hbm>>
    tpu.enqueue_dma source(%dma_start3A_80 : memref<32x1024xf32, #tpu.memory_space<hbm>>) target(%arg10 : memref<32x1024xf32, #tpu.memory_space<vmem>>) target_semaphore(%arg16 : memref<!tpu.dma_semaphore, #tpu.memory_space<semaphore_mem>>)
    %dma_start3A_81 = arith.constant 0 : i32
    %dma_start3A_82 = arith.constant 0 : i32
    %dma_start3A_83 = tpu.memref_slice %arg13[%dma_start3A_81, %dma_start3A_82] : memref<4x32xi32, #tpu.memory_space<vmem>> -> memref<1x32xi32, #tpu.memory_space<vmem>>
    %dma_start3A_84 = tpu.memref_squeeze %dma_start3A_83 : memref<1x32xi32, #tpu.memory_space<vmem>> -> memref<32xi32, #tpu.memory_space<vmem>>
    %dma_start3A_85 = arith.constant 0 : i32
    %dma_start3A_86 = arith.constant 0 : i32
    %dma_start3A_87 = tpu.memref_slice %arg7[%dma_start3A_85, %dma_start3A_86] : memref<8192x1024xf32, #tpu.memory_space<hbm>> -> memref<8192x1024xf32, #tpu.memory_space<hbm>>
    tpu.enqueue_indirect_dma source(%arg9 : memref<32x1024xf32, #tpu.memory_space<vmem>>) target(%dma_start3A_87 : memref<8192x1024xf32, #tpu.memory_space<hbm>>) offsets(%dma_start3A_84 : memref<32xi32, #tpu.memory_space<vmem>>) semaphore(%arg17 : memref<!tpu.dma_semaphore, #tpu.memory_space<semaphore_mem>>)
    %dma_start3A_88 = arith.constant 0 : i32
    %dma_start3A_89 = arith.constant 0 : i32
    %dma_start3A_90 = tpu.memref_slice %arg14[%dma_start3A_88, %dma_start3A_89] : memref<4x32xi32, #tpu.memory_space<vmem>> -> memref<1x32xi32, #tpu.memory_space<vmem>>
    %dma_start3A_91 = tpu.memref_squeeze %dma_start3A_90 : memref<1x32xi32, #tpu.memory_space<vmem>> -> memref<32xi32, #tpu.memory_space<vmem>>
    %dma_start3A_92 = arith.constant 0 : i32
    %dma_start3A_93 = arith.constant 0 : i32
    %dma_start3A_94 = tpu.memref_slice %arg7[%dma_start3A_92, %dma_start3A_93] : memref<8192x1024xf32, #tpu.memory_space<hbm>> -> memref<8192x1024xf32, #tpu.memory_space<hbm>>
    tpu.enqueue_indirect_dma source(%arg9 : memref<32x1024xf32, #tpu.memory_space<vmem>>) target(%dma_start3A_94 : memref<8192x1024xf32, #tpu.memory_space<hbm>>) offsets(%dma_start3A_91 : memref<32xi32, #tpu.memory_space<vmem>>) semaphore(%arg17 : memref<!tpu.dma_semaphore, #tpu.memory_space<semaphore_mem>>)
    %dma_wait3A_95 = arith.constant 0 : i32
    %dma_wait3A_96 = tpu.memref_slice %arg2[%add3A_76, %dma_wait3A_95] : memref<4096x1024xf32, #tpu.memory_space<hbm>> -> memref<32x1024xf32, #tpu.memory_space<hbm>>
    %dma_wait3A_97 = arith.constant 0 : i32
    %dma_wait3A_98 = tpu.memref_slice %arg2[%add3A_76, %dma_wait3A_97] : memref<4096x1024xf32, #tpu.memory_space<hbm>> -> memref<32x1024xf32, #tpu.memory_space<hbm>>
    tpu.wait_dma2 semaphore(%arg16 : memref<!tpu.dma_semaphore, #tpu.memory_space<semaphore_mem>>) src(%dma_wait3A_98 : memref<32x1024xf32, #tpu.memory_space<hbm>>) dst(%arg10 : memref<32x1024xf32, #tpu.memory_space<vmem>>)
    %dma_wait3A_99 = arith.constant 0 : i32
    %dma_wait3A_100 = arith.constant 0 : i32
    %dma_wait3A_101 = tpu.memref_slice %arg13[%dma_wait3A_99, %dma_wait3A_100] : memref<4x32xi32, #tpu.memory_space<vmem>> -> memref<1x32xi32, #tpu.memory_space<vmem>>
    %dma_wait3A_102 = tpu.memref_squeeze %dma_wait3A_101 : memref<1x32xi32, #tpu.memory_space<vmem>> -> memref<32xi32, #tpu.memory_space<vmem>>
    %dma_wait3A_103 = arith.constant 0 : i32
    %dma_wait3A_104 = arith.constant 0 : i32
    %dma_wait3A_105 = tpu.memref_slice %arg7[%dma_wait3A_103, %dma_wait3A_104] : memref<8192x1024xf32, #tpu.memory_space<hbm>> -> memref<8192x1024xf32, #tpu.memory_space<hbm>>
    tpu.wait_indirect_dma semaphore(%arg17 : memref<!tpu.dma_semaphore, #tpu.memory_space<semaphore_mem>>) src(%arg9 : memref<32x1024xf32, #tpu.memory_space<vmem>>) dst(%dma_wait3A_105 : memref<8192x1024xf32, #tpu.memory_space<hbm>>)
    %dma_wait3A_106 = arith.constant 0 : i32
    %dma_wait3A_107 = arith.constant 0 : i32
    %dma_wait3A_108 = tpu.memref_slice %arg14[%dma_wait3A_106, %dma_wait3A_107] : memref<4x32xi32, #tpu.memory_space<vmem>> -> memref<1x32xi32, #tpu.memory_space<vmem>>
    %dma_wait3A_109 = tpu.memref_squeeze %dma_wait3A_108 : memref<1x32xi32, #tpu.memory_space<vmem>> -> memref<32xi32, #tpu.memory_space<vmem>>
    %dma_wait3A_110 = arith.constant 0 : i32
    %dma_wait3A_111 = arith.constant 0 : i32
    %dma_wait3A_112 = tpu.memref_slice %arg7[%dma_wait3A_110, %dma_wait3A_111] : memref<8192x1024xf32, #tpu.memory_space<hbm>> -> memref<8192x1024xf32, #tpu.memory_space<hbm>>
    tpu.wait_indirect_dma semaphore(%arg17 : memref<!tpu.dma_semaphore, #tpu.memory_space<semaphore_mem>>) src(%arg9 : memref<32x1024xf32, #tpu.memory_space<vmem>>) dst(%dma_wait3A_112 : memref<8192x1024xf32, #tpu.memory_space<hbm>>)
    %add3A_113 = arith.constant 64 : i32
    %add3A_114 = arith.addi %mul3A_2, %add3A_113 : i32
    %dma_start3A_115 = arith.constant 0 : i32
    %dma_start3A_116 = tpu.memref_slice %arg2[%add3A_114, %dma_start3A_115] : memref<4096x1024xf32, #tpu.memory_space<hbm>> -> memref<32x1024xf32, #tpu.memory_space<hbm>>
    %dma_start3A_117 = arith.constant 0 : i32
    %dma_start3A_118 = tpu.memref_slice %arg2[%add3A_114, %dma_start3A_117] : memref<4096x1024xf32, #tpu.memory_space<hbm>> -> memref<32x1024xf32, #tpu.memory_space<hbm>>
    tpu.enqueue_dma source(%dma_start3A_118 : memref<32x1024xf32, #tpu.memory_space<hbm>>) target(%arg9 : memref<32x1024xf32, #tpu.memory_space<vmem>>) target_semaphore(%arg16 : memref<!tpu.dma_semaphore, #tpu.memory_space<semaphore_mem>>)
    %dma_start3A_119 = arith.constant 1 : i32
    %dma_start3A_120 = arith.constant 0 : i32
    %dma_start3A_121 = tpu.memref_slice %arg13[%dma_start3A_119, %dma_start3A_120] : memref<4x32xi32, #tpu.memory_space<vmem>> -> memref<1x32xi32, #tpu.memory_space<vmem>>
    %dma_start3A_122 = tpu.memref_squeeze %dma_start3A_121 : memref<1x32xi32, #tpu.memory_space<vmem>> -> memref<32xi32, #tpu.memory_space<vmem>>
    %dma_start3A_123 = arith.constant 0 : i32
    %dma_start3A_124 = arith.constant 0 : i32
    %dma_start3A_125 = tpu.memref_slice %arg7[%dma_start3A_123, %dma_start3A_124] : memref<8192x1024xf32, #tpu.memory_space<hbm>> -> memref<8192x1024xf32, #tpu.memory_space<hbm>>
    tpu.enqueue_indirect_dma source(%arg10 : memref<32x1024xf32, #tpu.memory_space<vmem>>) target(%dma_start3A_125 : memref<8192x1024xf32, #tpu.memory_space<hbm>>) offsets(%dma_start3A_122 : memref<32xi32, #tpu.memory_space<vmem>>) semaphore(%arg18 : memref<!tpu.dma_semaphore, #tpu.memory_space<semaphore_mem>>)
    %dma_start3A_126 = arith.constant 1 : i32
    %dma_start3A_127 = arith.constant 0 : i32
    %dma_start3A_128 = tpu.memref_slice %arg14[%dma_start3A_126, %dma_start3A_127] : memref<4x32xi32, #tpu.memory_space<vmem>> -> memref<1x32xi32, #tpu.memory_space<vmem>>
    %dma_start3A_129 = tpu.memref_squeeze %dma_start3A_128 : memref<1x32xi32, #tpu.memory_space<vmem>> -> memref<32xi32, #tpu.memory_space<vmem>>
    %dma_start3A_130 = arith.constant 0 : i32
    %dma_start3A_131 = arith.constant 0 : i32
    %dma_start3A_132 = tpu.memref_slice %arg7[%dma_start3A_130, %dma_start3A_131] : memref<8192x1024xf32, #tpu.memory_space<hbm>> -> memref<8192x1024xf32, #tpu.memory_space<hbm>>
    tpu.enqueue_indirect_dma source(%arg10 : memref<32x1024xf32, #tpu.memory_space<vmem>>) target(%dma_start3A_132 : memref<8192x1024xf32, #tpu.memory_space<hbm>>) offsets(%dma_start3A_129 : memref<32xi32, #tpu.memory_space<vmem>>) semaphore(%arg18 : memref<!tpu.dma_semaphore, #tpu.memory_space<semaphore_mem>>)
    %dma_wait3A_133 = arith.constant 0 : i32
    %dma_wait3A_134 = tpu.memref_slice %arg2[%add3A_114, %dma_wait3A_133] : memref<4096x1024xf32, #tpu.memory_space<hbm>> -> memref<32x1024xf32, #tpu.memory_space<hbm>>
    %dma_wait3A_135 = arith.constant 0 : i32
    %dma_wait3A_136 = tpu.memref_slice %arg2[%add3A_114, %dma_wait3A_135] : memref<4096x1024xf32, #tpu.memory_space<hbm>> -> memref<32x1024xf32, #tpu.memory_space<hbm>>
    tpu.wait_dma2 semaphore(%arg16 : memref<!tpu.dma_semaphore, #tpu.memory_space<semaphore_mem>>) src(%dma_wait3A_136 : memref<32x1024xf32, #tpu.memory_space<hbm>>) dst(%arg9 : memref<32x1024xf32, #tpu.memory_space<vmem>>)
    %dma_wait3A_137 = arith.constant 1 : i32
    %dma_wait3A_138 = arith.constant 0 : i32
    %dma_wait3A_139 = tpu.memref_slice %arg13[%dma_wait3A_137, %dma_wait3A_138] : memref<4x32xi32, #tpu.memory_space<vmem>> -> memref<1x32xi32, #tpu.memory_space<vmem>>
    %dma_wait3A_140 = tpu.memref_squeeze %dma_wait3A_139 : memref<1x32xi32, #tpu.memory_space<vmem>> -> memref<32xi32, #tpu.memory_space<vmem>>
    %dma_wait3A_141 = arith.constant 0 : i32
    %dma_wait3A_142 = arith.constant 0 : i32
    %dma_wait3A_143 = tpu.memref_slice %arg7[%dma_wait3A_141, %dma_wait3A_142] : memref<8192x1024xf32, #tpu.memory_space<hbm>> -> memref<8192x1024xf32, #tpu.memory_space<hbm>>
    tpu.wait_indirect_dma semaphore(%arg18 : memref<!tpu.dma_semaphore, #tpu.memory_space<semaphore_mem>>) src(%arg10 : memref<32x1024xf32, #tpu.memory_space<vmem>>) dst(%dma_wait3A_143 : memref<8192x1024xf32, #tpu.memory_space<hbm>>)
    %dma_wait3A_144 = arith.constant 1 : i32
    %dma_wait3A_145 = arith.constant 0 : i32
    %dma_wait3A_146 = tpu.memref_slice %arg14[%dma_wait3A_144, %dma_wait3A_145] : memref<4x32xi32, #tpu.memory_space<vmem>> -> memref<1x32xi32, #tpu.memory_space<vmem>>
    %dma_wait3A_147 = tpu.memref_squeeze %dma_wait3A_146 : memref<1x32xi32, #tpu.memory_space<vmem>> -> memref<32xi32, #tpu.memory_space<vmem>>
    %dma_wait3A_148 = arith.constant 0 : i32
    %dma_wait3A_149 = arith.constant 0 : i32
    %dma_wait3A_150 = tpu.memref_slice %arg7[%dma_wait3A_148, %dma_wait3A_149] : memref<8192x1024xf32, #tpu.memory_space<hbm>> -> memref<8192x1024xf32, #tpu.memory_space<hbm>>
    tpu.wait_indirect_dma semaphore(%arg18 : memref<!tpu.dma_semaphore, #tpu.memory_space<semaphore_mem>>) src(%arg10 : memref<32x1024xf32, #tpu.memory_space<vmem>>) dst(%dma_wait3A_150 : memref<8192x1024xf32, #tpu.memory_space<hbm>>)
    %add3A_151 = arith.constant 96 : i32
    %add3A_152 = arith.addi %mul3A_2, %add3A_151 : i32
    %dma_start3A_153 = arith.constant 0 : i32
    %dma_start3A_154 = tpu.memref_slice %arg2[%add3A_152, %dma_start3A_153] : memref<4096x1024xf32, #tpu.memory_space<hbm>> -> memref<32x1024xf32, #tpu.memory_space<hbm>>
    %dma_start3A_155 = arith.constant 0 : i32
    %dma_start3A_156 = tpu.memref_slice %arg2[%add3A_152, %dma_start3A_155] : memref<4096x1024xf32, #tpu.memory_space<hbm>> -> memref<32x1024xf32, #tpu.memory_space<hbm>>
    tpu.enqueue_dma source(%dma_start3A_156 : memref<32x1024xf32, #tpu.memory_space<hbm>>) target(%arg10 : memref<32x1024xf32, #tpu.memory_space<vmem>>) target_semaphore(%arg16 : memref<!tpu.dma_semaphore, #tpu.memory_space<semaphore_mem>>)
    %dma_start3A_157 = arith.constant 2 : i32
    %dma_start3A_158 = arith.constant 0 : i32
    %dma_start3A_159 = tpu.memref_slice %arg13[%dma_start3A_157, %dma_start3A_158] : memref<4x32xi32, #tpu.memory_space<vmem>> -> memref<1x32xi32, #tpu.memory_space<vmem>>
    %dma_start3A_160 = tpu.memref_squeeze %dma_start3A_159 : memref<1x32xi32, #tpu.memory_space<vmem>> -> memref<32xi32, #tpu.memory_space<vmem>>
    %dma_start3A_161 = arith.constant 0 : i32
    %dma_start3A_162 = arith.constant 0 : i32
    %dma_start3A_163 = tpu.memref_slice %arg7[%dma_start3A_161, %dma_start3A_162] : memref<8192x1024xf32, #tpu.memory_space<hbm>> -> memref<8192x1024xf32, #tpu.memory_space<hbm>>
    tpu.enqueue_indirect_dma source(%arg9 : memref<32x1024xf32, #tpu.memory_space<vmem>>) target(%dma_start3A_163 : memref<8192x1024xf32, #tpu.memory_space<hbm>>) offsets(%dma_start3A_160 : memref<32xi32, #tpu.memory_space<vmem>>) semaphore(%arg17 : memref<!tpu.dma_semaphore, #tpu.memory_space<semaphore_mem>>)
    %dma_start3A_164 = arith.constant 2 : i32
    %dma_start3A_165 = arith.constant 0 : i32
    %dma_start3A_166 = tpu.memref_slice %arg14[%dma_start3A_164, %dma_start3A_165] : memref<4x32xi32, #tpu.memory_space<vmem>> -> memref<1x32xi32, #tpu.memory_space<vmem>>
    %dma_start3A_167 = tpu.memref_squeeze %dma_start3A_166 : memref<1x32xi32, #tpu.memory_space<vmem>> -> memref<32xi32, #tpu.memory_space<vmem>>
    %dma_start3A_168 = arith.constant 0 : i32
    %dma_start3A_169 = arith.constant 0 : i32
    %dma_start3A_170 = tpu.memref_slice %arg7[%dma_start3A_168, %dma_start3A_169] : memref<8192x1024xf32, #tpu.memory_space<hbm>> -> memref<8192x1024xf32, #tpu.memory_space<hbm>>
    tpu.enqueue_indirect_dma source(%arg9 : memref<32x1024xf32, #tpu.memory_space<vmem>>) target(%dma_start3A_170 : memref<8192x1024xf32, #tpu.memory_space<hbm>>) offsets(%dma_start3A_167 : memref<32xi32, #tpu.memory_space<vmem>>) semaphore(%arg17 : memref<!tpu.dma_semaphore, #tpu.memory_space<semaphore_mem>>)
    %dma_wait3A_171 = arith.constant 0 : i32
    %dma_wait3A_172 = tpu.memref_slice %arg2[%add3A_152, %dma_wait3A_171] : memref<4096x1024xf32, #tpu.memory_space<hbm>> -> memref<32x1024xf32, #tpu.memory_space<hbm>>
    %dma_wait3A_173 = arith.constant 0 : i32
    %dma_wait3A_174 = tpu.memref_slice %arg2[%add3A_152, %dma_wait3A_173] : memref<4096x1024xf32, #tpu.memory_space<hbm>> -> memref<32x1024xf32, #tpu.memory_space<hbm>>
    tpu.wait_dma2 semaphore(%arg16 : memref<!tpu.dma_semaphore, #tpu.memory_space<semaphore_mem>>) src(%dma_wait3A_174 : memref<32x1024xf32, #tpu.memory_space<hbm>>) dst(%arg10 : memref<32x1024xf32, #tpu.memory_space<vmem>>)
    %dma_start3A_175 = arith.constant 3 : i32
    %dma_start3A_176 = arith.constant 0 : i32
    %dma_start3A_177 = tpu.memref_slice %arg13[%dma_start3A_175, %dma_start3A_176] : memref<4x32xi32, #tpu.memory_space<vmem>> -> memref<1x32xi32, #tpu.memory_space<vmem>>
    %dma_start3A_178 = tpu.memref_squeeze %dma_start3A_177 : memref<1x32xi32, #tpu.memory_space<vmem>> -> memref<32xi32, #tpu.memory_space<vmem>>
    %dma_start3A_179 = arith.constant 0 : i32
    %dma_start3A_180 = arith.constant 0 : i32
    %dma_start3A_181 = tpu.memref_slice %arg7[%dma_start3A_179, %dma_start3A_180] : memref<8192x1024xf32, #tpu.memory_space<hbm>> -> memref<8192x1024xf32, #tpu.memory_space<hbm>>
    tpu.enqueue_indirect_dma source(%arg10 : memref<32x1024xf32, #tpu.memory_space<vmem>>) target(%dma_start3A_181 : memref<8192x1024xf32, #tpu.memory_space<hbm>>) offsets(%dma_start3A_178 : memref<32xi32, #tpu.memory_space<vmem>>) semaphore(%arg18 : memref<!tpu.dma_semaphore, #tpu.memory_space<semaphore_mem>>)
    %dma_start3A_182 = arith.constant 3 : i32
    %dma_start3A_183 = arith.constant 0 : i32
    %dma_start3A_184 = tpu.memref_slice %arg14[%dma_start3A_182, %dma_start3A_183] : memref<4x32xi32, #tpu.memory_space<vmem>> -> memref<1x32xi32, #tpu.memory_space<vmem>>
    %dma_start3A_185 = tpu.memref_squeeze %dma_start3A_184 : memref<1x32xi32, #tpu.memory_space<vmem>> -> memref<32xi32, #tpu.memory_space<vmem>>
    %dma_start3A_186 = arith.constant 0 : i32
    %dma_start3A_187 = arith.constant 0 : i32
    %dma_start3A_188 = tpu.memref_slice %arg7[%dma_start3A_186, %dma_start3A_187] : memref<8192x1024xf32, #tpu.memory_space<hbm>> -> memref<8192x1024xf32, #tpu.memory_space<hbm>>
    tpu.enqueue_indirect_dma source(%arg10 : memref<32x1024xf32, #tpu.memory_space<vmem>>) target(%dma_start3A_188 : memref<8192x1024xf32, #tpu.memory_space<hbm>>) offsets(%dma_start3A_185 : memref<32xi32, #tpu.memory_space<vmem>>) semaphore(%arg18 : memref<!tpu.dma_semaphore, #tpu.memory_space<semaphore_mem>>)
    %dma_wait3A_189 = arith.constant 2 : i32
    %dma_wait3A_190 = arith.constant 0 : i32
    %dma_wait3A_191 = tpu.memref_slice %arg13[%dma_wait3A_189, %dma_wait3A_190] : memref<4x32xi32, #tpu.memory_space<vmem>> -> memref<1x32xi32, #tpu.memory_space<vmem>>
    %dma_wait3A_192 = tpu.memref_squeeze %dma_wait3A_191 : memref<1x32xi32, #tpu.memory_space<vmem>> -> memref<32xi32, #tpu.memory_space<vmem>>
    %dma_wait3A_193 = arith.constant 0 : i32
    %dma_wait3A_194 = arith.constant 0 : i32
    %dma_wait3A_195 = tpu.memref_slice %arg7[%dma_wait3A_193, %dma_wait3A_194] : memref<8192x1024xf32, #tpu.memory_space<hbm>> -> memref<8192x1024xf32, #tpu.memory_space<hbm>>
    tpu.wait_indirect_dma semaphore(%arg17 : memref<!tpu.dma_semaphore, #tpu.memory_space<semaphore_mem>>) src(%arg9 : memref<32x1024xf32, #tpu.memory_space<vmem>>) dst(%dma_wait3A_195 : memref<8192x1024xf32, #tpu.memory_space<hbm>>)
    %dma_wait3A_196 = arith.constant 2 : i32
    %dma_wait3A_197 = arith.constant 0 : i32
    %dma_wait3A_198 = tpu.memref_slice %arg14[%dma_wait3A_196, %dma_wait3A_197] : memref<4x32xi32, #tpu.memory_space<vmem>> -> memref<1x32xi32, #tpu.memory_space<vmem>>
    %dma_wait3A_199 = tpu.memref_squeeze %dma_wait3A_198 : memref<1x32xi32, #tpu.memory_space<vmem>> -> memref<32xi32, #tpu.memory_space<vmem>>
    %dma_wait3A_200 = arith.constant 0 : i32
    %dma_wait3A_201 = arith.constant 0 : i32
    %dma_wait3A_202 = tpu.memref_slice %arg7[%dma_wait3A_200, %dma_wait3A_201] : memref<8192x1024xf32, #tpu.memory_space<hbm>> -> memref<8192x1024xf32, #tpu.memory_space<hbm>>
    tpu.wait_indirect_dma semaphore(%arg17 : memref<!tpu.dma_semaphore, #tpu.memory_space<semaphore_mem>>) src(%arg9 : memref<32x1024xf32, #tpu.memory_space<vmem>>) dst(%dma_wait3A_202 : memref<8192x1024xf32, #tpu.memory_space<hbm>>)
    %dma_wait3A_203 = arith.constant 3 : i32
    %dma_wait3A_204 = arith.constant 0 : i32
    %dma_wait3A_205 = tpu.memref_slice %arg13[%dma_wait3A_203, %dma_wait3A_204] : memref<4x32xi32, #tpu.memory_space<vmem>> -> memref<1x32xi32, #tpu.memory_space<vmem>>
    %dma_wait3A_206 = tpu.memref_squeeze %dma_wait3A_205 : memref<1x32xi32, #tpu.memory_space<vmem>> -> memref<32xi32, #tpu.memory_space<vmem>>
    %dma_wait3A_207 = arith.constant 0 : i32
    %dma_wait3A_208 = arith.constant 0 : i32
    %dma_wait3A_209 = tpu.memref_slice %arg7[%dma_wait3A_207, %dma_wait3A_208] : memref<8192x1024xf32, #tpu.memory_space<hbm>> -> memref<8192x1024xf32, #tpu.memory_space<hbm>>
    tpu.wait_indirect_dma semaphore(%arg18 : memref<!tpu.dma_semaphore, #tpu.memory_space<semaphore_mem>>) src(%arg10 : memref<32x1024xf32, #tpu.memory_space<vmem>>) dst(%dma_wait3A_209 : memref<8192x1024xf32, #tpu.memory_space<hbm>>)
    %dma_wait3A_210 = arith.constant 3 : i32
    %dma_wait3A_211 = arith.constant 0 : i32
    %dma_wait3A_212 = tpu.memref_slice %arg14[%dma_wait3A_210, %dma_wait3A_211] : memref<4x32xi32, #tpu.memory_space<vmem>> -> memref<1x32xi32, #tpu.memory_space<vmem>>
    %dma_wait3A_213 = tpu.memref_squeeze %dma_wait3A_212 : memref<1x32xi32, #tpu.memory_space<vmem>> -> memref<32xi32, #tpu.memory_space<vmem>>
    %dma_wait3A_214 = arith.constant 0 : i32
    %dma_wait3A_215 = arith.constant 0 : i32
    %dma_wait3A_216 = tpu.memref_slice %arg7[%dma_wait3A_214, %dma_wait3A_215] : memref<8192x1024xf32, #tpu.memory_space<hbm>> -> memref<8192x1024xf32, #tpu.memory_space<hbm>>
    tpu.wait_indirect_dma semaphore(%arg18 : memref<!tpu.dma_semaphore, #tpu.memory_space<semaphore_mem>>) src(%arg10 : memref<32x1024xf32, #tpu.memory_space<vmem>>) dst(%dma_wait3A_216 : memref<8192x1024xf32, #tpu.memory_space<hbm>>)
    return
  }
}

module attributes {stable_mosaic.version = 14 : i64} {
  func.func @_router_body(%arg0: memref<4096x1024xf32, #tpu.memory_space<vmem>>, %arg1: memref<8x1024xf32, #tpu.memory_space<vmem>>, %arg2: memref<4096x2xf32, #tpu.memory_space<vmem>>, %arg3: memref<4096x2xi32, #tpu.memory_space<vmem>>) attributes {dimension_semantics = [], scalar_prefetch = 0 : i64, scratch_operands = 0 : i64, tpu.core_type = #tpu.core_type<tc>} {
    %get3A = arith.constant 0 : index
    %get3A_0 = arith.constant 0 : index
    %get3A_1 = vector.load %arg0[%get3A, %get3A_0] : memref<4096x1024xf32, #tpu.memory_space<vmem>>, vector<4096x1024xf32>
    %convert_element_type3A = arith.truncf %get3A_1 : vector<4096x1024xf32> to vector<4096x1024xbf16>
    %get3A_2 = arith.constant 0 : index
    %get3A_3 = arith.constant 0 : index
    %get3A_4 = vector.load %arg1[%get3A_2, %get3A_3] : memref<8x1024xf32, #tpu.memory_space<vmem>>, vector<8x1024xf32>
    %convert_element_type3A_5 = arith.truncf %get3A_4 : vector<8x1024xf32> to vector<8x1024xbf16>
    %dot_general3A = arith.constant dense<0.000000e+00> : vector<4096x8xf32>
    %dot_general3A_6 = tpu.matmul %convert_element_type3A, %convert_element_type3A_5, %dot_general3A {dimension_numbers = #tpu.dot_dimension_numbers<[1], [1], [0], [0], [0, 0, 1, 0], [], []>, transpose_lhs_hint = false} : vector<4096x1024xbf16>, vector<8x1024xbf16>, vector<4096x8xf32> -> vector<4096x8xf32>
    %iota3A = tpu.iota {dimensions = array<i32: 1>} : vector<4096x8xi32>
    %reduce_max3A = arith.constant dense<0xFF800000> : vector<4096xf32>
    %reduce_max3A_7 = vector.multi_reduction <maximumf>, %dot_general3A_6, %reduce_max3A [1] : vector<4096x8xf32> to vector<4096xf32>
    %broadcast_in_dim3A = vector.shape_cast %reduce_max3A_7 : vector<4096xf32> to vector<4096x1xf32>
    %eq3A = vector.broadcast %broadcast_in_dim3A : vector<4096x1xf32> to vector<4096x8xf32>
    %eq3A_8 = arith.cmpf oeq, %dot_general3A_6, %eq3A : vector<4096x8xf32>
    %jit3A = arith.constant 8 : i32
    %broadcast_in_dim3A_9 = vector.broadcast %jit3A : i32 to vector<4096x8xi32>
    %select_n3A = arith.select %eq3A_8, %iota3A, %broadcast_in_dim3A_9 : vector<4096x8xi1>, vector<4096x8xi32>
    %reduce_min3A = arith.constant dense<2147483647> : vector<4096xi32>
    %reduce_min3A_10 = vector.multi_reduction <minsi>, %select_n3A, %reduce_min3A [1] : vector<4096x8xi32> to vector<4096xi32>
    %broadcast_in_dim3A_11 = vector.shape_cast %reduce_min3A_10 : vector<4096xi32> to vector<4096x1xi32>
    %eq3A_12 = vector.broadcast %broadcast_in_dim3A_11 : vector<4096x1xi32> to vector<4096x8xi32>
    %eq3A_13 = arith.cmpi eq, %iota3A, %eq3A_12 : vector<4096x8xi32>
    %jit3A_14 = arith.constant 0xFF800000 : f32
    %broadcast_in_dim3A_15 = vector.broadcast %jit3A_14 : f32 to vector<4096x8xf32>
    %select_n3A_16 = arith.select %eq3A_13, %broadcast_in_dim3A_15, %dot_general3A_6 : vector<4096x8xi1>, vector<4096x8xf32>
    %reduce_max3A_17 = arith.constant dense<0xFF800000> : vector<4096xf32>
    %reduce_max3A_18 = vector.multi_reduction <maximumf>, %select_n3A_16, %reduce_max3A_17 [1] : vector<4096x8xf32> to vector<4096xf32>
    %broadcast_in_dim3A_19 = vector.shape_cast %reduce_max3A_18 : vector<4096xf32> to vector<4096x1xf32>
    %eq3A_20 = vector.broadcast %broadcast_in_dim3A_19 : vector<4096x1xf32> to vector<4096x8xf32>
    %eq3A_21 = arith.cmpf oeq, %select_n3A_16, %eq3A_20 : vector<4096x8xf32>
    %jit3A_22 = arith.constant 8 : i32
    %broadcast_in_dim3A_23 = vector.broadcast %jit3A_22 : i32 to vector<4096x8xi32>
    %select_n3A_24 = arith.select %eq3A_21, %iota3A, %broadcast_in_dim3A_23 : vector<4096x8xi1>, vector<4096x8xi32>
    %reduce_min3A_25 = arith.constant dense<2147483647> : vector<4096xi32>
    %reduce_min3A_26 = vector.multi_reduction <minsi>, %select_n3A_24, %reduce_min3A_25 [1] : vector<4096x8xi32> to vector<4096xi32>
    %broadcast_in_dim3A_27 = vector.shape_cast %reduce_min3A_26 : vector<4096xi32> to vector<4096x1xi32>
    %concatenate3A = tpu.concatenate %broadcast_in_dim3A, %broadcast_in_dim3A_19 in 1 : vector<4096x1xf32>, vector<4096x1xf32> -> vector<4096x2xf32>
    %logistic3A = arith.negf %concatenate3A : vector<4096x2xf32>
    %logistic3A_28 = math.exp %logistic3A : vector<4096x2xf32>
    %logistic3A_29 = arith.constant 1.000000e+00 : f32
    %logistic3A_30 = vector.broadcast %logistic3A_29 : f32 to vector<4096x2xf32>
    %logistic3A_31 = arith.addf %logistic3A_30, %logistic3A_28 : vector<4096x2xf32>
    %logistic3A_32 = arith.divf %logistic3A_30, %logistic3A_31 : vector<4096x2xf32>
    %swap3A = arith.constant 0 : index
    %swap3A_33 = arith.constant 0 : index
    %swap3A_34 = vector.load %arg2[%swap3A, %swap3A_33] : memref<4096x2xf32, #tpu.memory_space<vmem>>, vector<4096x2xf32>
    tpu.vector_store %arg2[%swap3A, %swap3A_33], %logistic3A_32 {strides = array<i32>} : memref<4096x2xf32, #tpu.memory_space<vmem>>, vector<4096x2xf32>,
    %concatenate3A_35 = tpu.concatenate %broadcast_in_dim3A_11, %broadcast_in_dim3A_27 in 1 : vector<4096x1xi32>, vector<4096x1xi32> -> vector<4096x2xi32>
    %swap3A_36 = arith.constant 0 : index
    %swap3A_37 = arith.constant 0 : index
    %swap3A_38 = vector.load %arg3[%swap3A_36, %swap3A_37] : memref<4096x2xi32, #tpu.memory_space<vmem>>, vector<4096x2xi32>
    tpu.vector_store %arg3[%swap3A_36, %swap3A_37], %concatenate3A_35 {strides = array<i32>} : memref<4096x2xi32, #tpu.memory_space<vmem>>, vector<4096x2xi32>,
    return
  }
}

</mosaic_0001>

<sc_bundles>
// kernel: kernel.4.cloned.1.call-start
scs
__scs_entry_jumppad:
0x0: {  	(pc) =	sbr.rel $0x88, $3  }
0x1: {  	(tag) =	ssettag $0x0;
	lr =	simm.s32 $0x1  }
0x2: {  	[smem:$0x3F9F] =	sst lr;
	_ =	strace $0xD0000000  }
0x3: {  	_ = 	snop  }
0x4: {  	_ = 	snop  }
0x5: {  	_ = 	snop  }
0x6: {  	_ = 	snop  }
0x7: {  	_ = 	snop  }
__scs_overlays_trampoline_lowered:
0x8: {  	[smem:$0x3FAE] =	sst s0  }
0x9: {  	[smem:$0x3FAF] =	sst s1  }
0xa: {  	[smem:$0x3FB0] =	sst s2  }
0xb: {  	[smem:$0x3FB1] =	sst s3  }
0xc: {  	[smem:$0x3FB2] =	sst s4  }
0xd: {  	[smem:$0x3FB3] =	sst s5  }
0xe: {  	[smem:$0x3FB4] =	sst s6  }
0xf: {  	[smem:$0x3FB5] =	sst s7  }
0x10: {  	[smem:$0x3FB6] =	sst s8  }
0x11: {  	[smem:$0x3FB7] =	sst s9;
	s0 =	simm.s32 @!p0 $0x0  }
0x12: {  	s1 =	sld [smem:$0x3F9D];
	s0 =	simm.s32 @p0 $0x1  }
0x13: {  	[smem:$0x3FB8] =	sst s0;
	s0 =	simm.s32 @!p1 $0x0  }
0x14: {  	s2 =	sld [smem:$0x3F9C];
	s0 =	simm.s32 @p1 $0x1  }
0x15: {  	[smem:$0x3FB9] =	sst s0;
	s0 =	simm.s32 @!p2 $0x0  }
0x16: {  	s3 =	sld [smem:$0x3FDB];
	s0 =	simm.s32 @p2 $0x1  }
0x17: {  	s4 =	simm.s32 $0x1BF5;
	[smem:$0x3FBB] =	sst s0  }
0x18: {  	s0 =	sld [smem:$0x3F9E];
	_ =	swait.ge [sflag:s4], $0x0  }
0x19: {  	s7 =	sld [smem:$0x3F9F]  }
0x1a: {  	s8 =	sadd.s32 $0xFFFFE003, lr  }
0x1b: {  	s9 =	sadd.s32 $0xFFFFFEF7, lr;
	s5 =	simm.s32 $0xFFFFFFFF;
	p2 =	slt.u32 s8, $0xFFFFF086  }
0x1c: {  	p1 =	slt.u32 s9, $0xF7A;
	s5 =	simm.s32 @!p2 $0x0  }
0x1d: {  	s5 =	simm.s32 @p1 $0x1;
	p0 =	seq.s32 s7, s2  }
0x1e: {  	s7 =	smul.u32 @!p0 $0xF7A, s2;
	p2 =	seq.s32 @!p0 s5, $0x0  }
0x1f: {  	s9 =	smul.u32 $0xF7A, s1;
	s8 =	simm.s32 @!p0 $0x1BF5;
	p2 =	por !p2, p0  }
0x20: {  	[sflag:s8] =	ssyncset.s32 @!p0 $0xFFFFF086;
	s6 =	sadd.s32 @!p0 s3, s7;
	s7 =	simm.s32 @!p0 $0x108  }
0x21: {  	s3 =	sadd.s32 s3, s9;
	s6 =	sadd.s32 @!p0 $0x88, s6;
	s7 =	simm.s32 @p2 $0x1082  }
0x22: {  	[simem:s7], [sflag:s8] =	dma.local @!p0 [hbm:s6], $0xF7A  }
0x23: {  	s9 =	sor.u32 $0xD0000000, s2;
	s6 =	simm.s32 $0x108;
	_ =	swait.ge @!p0 [sflag:s8], $0x0  }
0x24: {  	s3 =	sadd.s32 $0x88, s3;
	s6 =	simm.s32 @!p1 $0x1082;
	[sflag:s4] =	ssyncset.s32 $0xFFFFF086  }
0x25: {  	[simem:s6], [sflag:s4] =	dma.local [hbm:s3], $0xF7A  }
0x26: {  	[smem:$0x3F9F] =	sst s1;
	(tag) =	ssettag s2;
	_ =	strace s9  }
0x27: {  	s1 =	sld [smem:$0x3FAF]  }
0x28: {  	s2 =	sld [smem:$0x3FB0]  }
0x29: {  	s4 =	sld [smem:$0x3FB2]  }
0x2a: {  	p0 =	seq.s32 s5, $0x0;
	s5 =	sld [smem:$0x3FB3]  }
0x2b: {  	s6 =	sld [smem:$0x3FB4]  }
0x2c: {  	s7 =	sld [smem:$0x3FB5]  }
0x2d: {  	s3 =	simm.s32 $0x108;
	s8 =	sld [smem:$0x3FB6]  }
0x2e: {  	s3 =	simm.s32 @!p0 $0x1082;
	s9 =	sld [smem:$0x3FB7]  }
0x2f: {  	lr =	sadd.s32 s0, s3;
	s0 =	sld [smem:$0x3FAE]  }
0x30: {  	s3 =	sld [smem:$0x3FB1]  }
0x31: {  	[smem:$0x3FBA] =	sst s10  }
0x32: {  	s10 =	sld [smem:$0x3FB8];
	_ =	sdelay $0x3  }
0x33: {  	p0 =	seq.s32 s10, $0x1;
	s10 =	sld [smem:$0x3FBA];
	_ =	sdelay $0x3  }
0x34: {  	[smem:$0x3FBA] =	sst s10  }
0x35: {  	s10 =	sld [smem:$0x3FB9];
	_ =	sdelay $0x3  }
0x36: {  	p1 =	seq.s32 s10, $0x1;
	s10 =	sld [smem:$0x3FBA];
	_ =	sdelay $0x3  }
0x37: {  	[smem:$0x3FBA] =	sst s10  }
0x38: {  	s10 =	sld [smem:$0x3FBB]  }
0x39: {  	_ = 	snop;
	(pc) =	sbr.ind lr, $3  }
0x3a: {  	_ = 	snop  }
0x3b: {  	_ = 	snop  }
0x3c: {  	p2 =	seq.s32 s10, $0x1;
	s10 =	sld [smem:$0x3FBA]  }
0x3d: {  	_ =	shalt  }
0x3e: {  	_ =	shalt  }
0x3f: {  	_ =	shalt  }
0x40: {  	_ =	shalt  }
0x41: {  	_ =	shalt  }
0x42: {  	_ =	shalt  }
0x43: {  	_ =	shalt  }
0x44: {  	_ =	shalt  }
0x45: {  	_ =	shalt  }
0x46: {  	_ =	shalt  }
0x47: {  	_ =	shalt  }
0x48: {  	_ =	shalt  }
0x49: {  	_ =	shalt  }
0x4a: {  	_ =	shalt  }
0x4b: {  	_ =	shalt  }
0x4c: {  	_ =	shalt  }
0x4d: {  	_ =	shalt  }
0x4e: {  	_ =	shalt  }
0x4f: {  	_ =	shalt  }
0x50: {  	_ =	shalt  }
0x51: {  	_ =	shalt  }
0x52: {  	_ =	shalt  }
0x53: {  	_ =	shalt  }
0x54: {  	_ =	shalt  }
0x55: {  	_ =	shalt  }
0x56: {  	_ =	shalt  }
0x57: {  	_ =	shalt  }
0x58: {  	_ =	shalt  }
0x59: {  	_ =	shalt  }
0x5a: {  	_ =	shalt  }
0x5b: {  	_ =	shalt  }
0x5c: {  	_ =	shalt  }
0x5d: {  	_ =	shalt  }
0x5e: {  	_ =	shalt  }
0x5f: {  	_ =	shalt  }
0x60: {  	_ =	shalt  }
0x61: {  	_ =	shalt  }
0x62: {  	_ =	shalt  }
0x63: {  	_ =	shalt  }
0x64: {  	_ =	shalt  }
0x65: {  	_ =	shalt  }
0x66: {  	_ =	shalt  }
0x67: {  	_ =	shalt  }
0x68: {  	_ =	shalt  }
0x69: {  	_ =	shalt  }
0x6a: {  	_ =	shalt  }
0x6b: {  	_ =	shalt  }
0x6c: {  	_ =	shalt  }
0x6d: {  	_ =	shalt  }
0x6e: {  	_ =	shalt  }
0x6f: {  	_ =	shalt  }
0x70: {  	_ =	shalt  }
0x71: {  	_ =	shalt  }
0x72: {  	_ =	shalt  }
0x73: {  	_ =	shalt  }
0x74: {  	_ =	shalt  }
0x75: {  	_ =	shalt  }
0x76: {  	_ =	shalt  }
0x77: {  	_ =	shalt  }
0x78: {  	_ =	shalt  }
0x79: {  	_ =	shalt  }
0x7a: {  	_ =	shalt  }
0x7b: {  	_ =	shalt  }
0x7c: {  	_ =	shalt  }
0x7d: {  	_ =	shalt  }
0x7e: {  	_ =	shalt  }
0x7f: {  	_ =	shalt  }
0x80: {  	_ =	shalt  }
0x81: {  	_ =	shalt  }
0x82: {  	_ =	shalt  }
0x83: {  	_ =	shalt  }
0x84: {  	_ =	shalt  }
0x85: {  	_ =	shalt  }
0x86: {  	_ =	shalt  }
0x87: {  	_ =	shalt  }
.Lfunc_end0:
.L_simem_size_0:
called_computation_lowered:
.L_overlay_start_0:
0x88: {  	s2 =	sld [smem:$0x3FD9]  }
0x89: {  	s3 =	sld [smem:$0x3FFE];
	_ =	sdelay $0x1  }
0x8a: {  	s1 =	srdreg.scid  }
0x8b: {  	s0 =	sand.u32 $0x1, s1  }
0x8c: {  	s14 =	sshll.u32 s0, $0xA;
	s2 =	sadd.s32 s3, s2  }
0x8d: {  	s2 =	sadd.s32 s2, s14  }
0x8e: {  	[smem:$0x3FC6] =	sst s2  }
0x8f: {  	_ = 	snop  }
0x90: {  	s2 =	sld [smem:$0x3FD0];
	_ =	sdelay $0x2  }
0x91: {  	s4 =	simm.s32 $0xA;
	s5 =	simm.s32 $0x10;
	s15 =	sld [smem:$0x3FC9]  }
0x92: {  	[smem:s5], [sflag:s4] =	dma.local [hbm:s2], $0x1  }
0x93: {  	_ =	swait.eq [sflag:s4], $0x1  }
0x94: {  	[sflag:s4] =	ssyncset.done $0x0  }
0x95: {  	[sflag:s4] =	ssyncadd.s32 $0xFFFFFFFF  }
0x96: {  	s16 =	sld [smem:$0x10];
	(tm) =	ssettm $0x1  }
0x97: {  	s17 =	sld [smem:$0x3FFB];
	_ =	sdelay $0x3  }
0x98: {  	_ =	strace s17  }
0x99: {  	s4 =	sld [smem:$0x3FFC];
	_ =	sdelay $0x3  }
0x9a: {  	_ =	strace s4  }
0x9b: {  	s4 =	sld [smem:$0x3FFD];
	_ =	sdelay $0x3  }
0x9c: {  	_ =	strace s4  }
0x9d: {  	_ =	strace $0x8FFFFFFF  }
0x9e: {  	s18 =	sld [smem:$0x3FDB];
	_ =	sdelay $0x1  }
0x9f: {  	s19 =	simm.s32 $_scs_section_size  }
0xa0: {  	s6 =	simm.s32 $_size__tile_overlayer_lowered;
	s7 =	simm.s32 $_tile_overlayer_lowered  }
0xa1: {  	s22 =	simm.s32 $0x1BFF;
	s21 =	sshll.u32 s7, $0x1;
	s4 =	sadd.s32 s19, s18  }
0xa2: {  	s8 =	simm.s32 $0x0;
	s20 =	sshll.u32 s6, $0x1;
	s6 =	sadd.s32 s21, s4  }
0xa3: {  	[timem:s8], [sflag:s22] =	dma.local [hbm:s6], s20  }
0xa4: {  	_ =	swait.ge [sflag:s22], s20  }
0xa5: {  	s5 =	ssub.s32 $0x0, s20;
	[sflag:s22] =	ssyncset.done $0x0  }
0xa6: {  	[sflag:s22] =	ssyncadd.s32 s5;
	_ =	sdelay $0x1  }
0xa7: {  	s23 =	simm.s32 $0x1B8B  }
0xa8: {  	_ =	swait.ge [sflag:s23], $0x1  }
0xa9: {  	[sflag:s23] =	ssyncset.done $0x0  }
0xaa: {  	s25 =	simm.s32 $0x1B8E;
	s24 =	sld [smem:$0x3FFE];
	[sflag:s23] =	ssyncadd.s32 $0xFFFFFFFF  }
0xab: {  	s26 =	simm.s32 $execute0_lowered;
	[smem:$0x3FD2] =	sst s25  }
0xac: {  	s6 =	sshll.u32 s26, $0x1;
	_ =	strace $0x80000046;
	[dreg:$0x1] =	wrdreg $0xFFFFFFFF  }
0xad: {  	s28 =	simm.s32 $_size_execute0_lowered;
	s4 =	sadd.s32 s4, s6;
	[dreg:$0x0] =	wrdreg $0x0  }
0xae: {  	s6 =	sshll.u32 s28, $0x1;
	[dreg:$0x2] =	wrdreg s4  }
0xaf: {  	[dreg:$0x3] =	wrdreg s6  }
0xb0: {  	[dreg:$0x4] =	wrdreg $0xC0  }
0xb1: {  	_ =	task [dreg:s8], $0x5FFFF  }
0xb2: {  	[dreg:$0x1] =	wrdreg $0xFFFFFFFF  }
0xb3: {  	[dreg:$0x0] =	wrdreg $0x60  }
0xb4: {  	[dreg:$0x2] =	wrdreg s15  }
0xb5: {  	[dreg:$0x3] =	wrdreg s16  }
0xb6: {  	[dreg:$0x4] =	wrdreg s24  }
0xb7: {  	[dreg:$0x5] =	wrdreg $0x9  }
0xb8: {  	_ =	task.clear_ibuf [dreg:s8], $0x6FFFF;
	_ =	strace $0x90000046  }
0xb9: {  	s29 =	simm.s32 $0x9;
	_ =	strace $0x80000048  }
0xba: {  	_ =	swait.ge [sflag:s29], $0x1  }
0xbb: {  	[sflag:s29] =	ssyncadd.s32 $0xFFFFFFFF  }
0xbc: {  	_ =	strace $0x90000048  }
0xbd: {  	_ =	sfence  }
0xbe: {  	s30 =	sld [smem:$0x0];
	_ =	sdelay $0x2  }
0xbf: {  	s31 =	sshll.u32 s1, $0xD;
	s1 =	sshrl.u32 s1, $0x2  }
0xc0: {  	s3 =	sand.u32 $0x4000, s31;
	s1 =	sadd.s32 s1, s30  }
0xc1: {  	s0 =	sor.u32 s3, s0;
	s1 =	sshll.u32 s1, $0x11  }
0xc2: {  	s0 =	sor.u32 s1, s0  }
0xc3: {  	s0 =	sadd.s32 $0x8F2B, s0  }
0xc4: {  	[sflag:s0] =	ssyncadd.remote.s32 $0x1  }
0xc5: {  	_ =	sfence.sel $0xFFFF  }
0xc6: {  	[dreg:$0x0] =	wrdreg $0xFFFFFFFF;
	(pc) =	sbr.abs _section_cstart, $3  }
0xc7: {  	[dreg:$0x1] =	wrdreg $0xFFFFFFFF  }
0xc8: {  	_ =	task.clear_ibuf [dreg:s8], $0x2FFFF;
	_ =	strace $0x9FFFFFFF  }
0xc9: {  	(tm) =	ssettm $0x7FFFFFFF  }
tec
execute0_lowered:
.L_overlay_start_1:
0x0: {  	(tag) =	ssettag $0x1  }
0x1: {  	s0 =	rddreg [dreg:$0x0]  }
0x2: {  	s1 =	rddreg [dreg:$0x1]  }
0x3: {  	s4 =	rddreg [dreg:$0x2]  }
0x4: {  	s3 =	srdreg.scid;
	s6 =	stileid.u32  }
0x5: {  	s2 =	simm.s32 $0x0;
	s23 =	simm.s32 $0x10000;
	s24 =	simm.s32 $0x10200  }
0x6: {  	s25 =	simm.s32 $0x10400;
	s26 =	simm.s32 $0x10600;
	s29 =	simm.s32 $0x2  }
0x7: {  	s31 =	simm.s32 $0x800;
	s5 =	sand.u32 $0x1, s3;
	[smem:$0x7FF] =	sst s2  }
0x8: {  	s16 =	sshll.u32 s6, $0x1;
	_ =	strace $0x80000047;
	[dreg:$0xa] =	wrdreg s23  }
0x9: {  	s28 =	simm.s32 $0x3800;
	s6 =	sor.u32 s5, s16;
	[dreg:$0xb] =	wrdreg s24  }
0xa: {  	s30 =	simm.s32 $0x4000;
	[dreg:$0xc] =	wrdreg s25;
	s7 =	sshll.u32 s6, $0x6  }
0xb: {  	s3 =	sadd.s32 $0x1C00, s4;
	[dreg:$0xd] =	wrdreg s26;
	s1 =	sadd.s32 s1, s7  }
0xc: {  	s6 =	sshll.u32 s6, $0xE;
	s7 =	sadd.s32 s4, s7;
	[dreg:$0x4] =	wrdreg s1  }
0xd: {  	s8 =	sadd.s32 $0x1F00, s4;
	s6 =	sadd.s32 s0, s6;
	[dreg:$0xe] =	wrdreg s7  }
0xe: {  	s19 =	ssub.s32 $0x2, s5;
	s17 =	sadd.s32 $0x1000, s7;
	[dreg:$0xf] =	wrdreg s6  }
0xf: {  	s5 =	sshrl.u32 s19, $0x1;
	s18 =	sadd.s32 $0x800, s7;
	[dreg:$0x5] =	wrdreg s17  }
0x10: {  	s0 =	ssub.s32 s19, s5;
	s20 =	sadd.s32 $0x1000, s6;
	[dreg:$0x6] =	wrdreg s18  }
0x11: {  	v2 =	vlaneseq.u32;
	s21 =	sadd.s32 $0x2000, s6;
	s22 =	sadd.s32 $0x3000, s6;
	[dreg:$0x7] =	wrdreg s20  }
0x12: {  	vm0 =	vmmov $0xffff;
	v1 =	vshrl.u32 v2, $0x3;
	s6 =	sadd.s32 $0x1D00, s4;
	s7 =	sadd.s32 $0x1E00, s4;
	[dreg:$0x8] =	wrdreg s21  }
0x13: {  	v0 =	vand.u32 $0x7, v2;
	v2 =	vor.u32 $0x8, v2;
	v1 =	vmul.u32 $0x8, v1;
	s19 =	smax.u32 s0, $0x1;
	[dreg:$0x9] =	wrdreg s22;
	s22 =	simm.s32 $0x3  }
.LBB2_1:
0x14: {  	s23 =	rddreg [dreg:$0x4]  }
0x15: {  	s24 =	rddreg [dreg:$0xa]  }
0x16: {  	s25 =	rddreg [dreg:$0x5]  }
0x17: {  	s26 =	rddreg [dreg:$0xb]  }
0x18: {  	s12 =	rddreg [dreg:$0xc]  }
0x19: {  	[tilespmem:s24], [sflag:$0x1] =	stream.linear.gather [hbm4b:s23+s2], $0x200, $0x38;
	[tilespmem:$0x10800] =	vst v63  }
0x1a: {  	s13 =	rddreg [dreg:$0x6]  }
0x1b: {  	[tilespmem:s26], [sflag:$0x1] =	stream.linear.gather [hbm4b:s25+s2], $0x200, $0x38;
	[tilespmem:$0x10800] =	vst v63  }
0x1c: {  	s15 =	rddreg [dreg:$0xe]  }
0x1d: {  	[tilespmem:s12], [sflag:$0x1] =	stream.linear.gather [hbm4b:s15+s2], $0x200, $0x38;
	[tilespmem:$0x10800] =	vst v63  }
0x1e: {  	s14 =	rddreg [dreg:$0xd]  }
0x1f: {  	[tilespmem:s14], [sflag:$0x1] =	stream.linear.gather [hbm4b:s13+s2], $0x200, $0x38;
	[tilespmem:$0x10800] =	vst v63  }
0x20: {  	s16 =	rddreg [dreg:$0xf];
	s0 =	simm.s32 $0x1  }
0x21: {  	[tilespmem:s2], [sflag:$0x2] =	stream.linear.gather [hbm4b:s16+s2], $0x8000, $0x38;
	[tilespmem:$0x10800] =	vst v63  }
0x22: {  	_ =	swait.ge [sflag:s0], $0x200  }
0x23: {  	[sflag:s0] =	ssyncset.done $0x0  }
0x24: {  	[sflag:s0] =	ssyncadd.s32 $0xFFFFFE00  }
0x25: {  	_ =	swait.ge [sflag:s0], $0x200  }
0x26: {  	[sflag:s0] =	ssyncset.done $0x0  }
0x27: {  	[sflag:s0] =	ssyncadd.s32 $0xFFFFFE00  }
0x28: {  	_ =	swait.ge [sflag:s0], $0x200  }
0x29: {  	[sflag:s0] =	ssyncset.done $0x0  }
0x2a: {  	[sflag:s0] =	ssyncadd.s32 $0xFFFFFE00  }
0x2b: {  	_ =	swait.ge [sflag:s0], $0x200  }
0x2c: {  	[sflag:s0] =	ssyncset.done $0x0  }
0x2d: {  	[sflag:s0] =	ssyncadd.s32 $0xFFFFFE00  }
0x2e: {  	_ =	swait.ge [sflag:s29], $0x8000  }
0x2f: {  	[sflag:s29] =	ssyncset.done $0x0  }
0x30: {  	s18 =	simm.s32 $0x8000;
	s17 =	rddreg [dreg:$0x7];
	[sflag:s29] =	ssyncadd.s32 $0xFFFF8000  }
0x31: {  	[tilespmem:s18], [sflag:$0x2] =	stream.linear.gather [hbm4b:s17+s2], $0x8000, $0x38;
	[tilespmem:$0x10800] =	vst v63  }
0x32: {  	v3 =	vld [tilespmem:$0x10400];
	_ =	sdelay $0x4  }
0x33: {  	v4 =	vshll.u32 v3, $0x3  }
0x34: {  	v3 =	vand.u32 $0x7, v3;
	v4 =	vand.u32 $0xFFFFFFC0, v4  }
0x35: {  	v3 =	vor.u32 v3, v4  }
0x36: {  	v4 =	vperm.xlane v3, v0;
	_ =	sdelay $0x1  }
0x37: {  	v4 =	vadd.s32 v1, v4;
	_ =	sdelay $0x4  }
0x38: {  	[hbm4b:s3+s2] =	stream.indirect_vreg.scatter [tilespmem:s2], [sflag:$0x3], $0x80, v4, vm0, $0xb8;
	[tilespmem:$0x10800] =	vst v63  }
0x39: {  	s20 =	simm.s32 $0x800;
	v3 =	vperm.xlane v3, v2  }
0x3a: {  	[hbm4b:s6+s2] =	stream.indirect_vreg.scatter [tilespmem:s20], [sflag:$0x3], $0x80, v4, vm0, $0xb8;
	[tilespmem:$0x10800] =	vst v63  }
0x3b: {  	s21 =	simm.s32 $0x1000;
	v3 =	vadd.s32 v1, v3  }
0x3c: {  	[hbm4b:s7+s2] =	stream.indirect_vreg.scatter [tilespmem:s21], [sflag:$0x3], $0x80, v4, vm0, $0xb8;
	[tilespmem:$0x10800] =	vst v63  }
0x3d: {  	s23 =	simm.s32 $0x1800  }
0x3e: {  	[hbm4b:s8+s2] =	stream.indirect_vreg.scatter [tilespmem:s23], [sflag:$0x3], $0x80, v4, vm0, $0xb8;
	[tilespmem:$0x10800] =	vst v63  }
0x3f: {  	s24 =	simm.s32 $0x2000  }
0x40: {  	[hbm4b:s3+s2] =	stream.indirect_vreg.scatter [tilespmem:s24], [sflag:$0x3], $0x80, v3, vm0, $0xb8;
	[tilespmem:$0x10800] =	vst v63  }
0x41: {  	s25 =	simm.s32 $0x2800  }
0x42: {  	[hbm4b:s6+s2] =	stream.indirect_vreg.scatter [tilespmem:s25], [sflag:$0x3], $0x80, v3, vm0, $0xb8;
	[tilespmem:$0x10800] =	vst v63  }
0x43: {  	s26 =	simm.s32 $0x3000  }
0x44: {  	[hbm4b:s7+s2] =	stream.indirect_vreg.scatter [tilespmem:s26], [sflag:$0x3], $0x80, v3, vm0, $0xb8;
	[tilespmem:$0x10800] =	vst v63  }
0x45: {  	s4 =	simm.s32 $0x3800  }
0x46: {  	[hbm4b:s8+s2] =	stream.indirect_vreg.scatter [tilespmem:s4], [sflag:$0x3], $0x80, v3, vm0, $0xb8;
	[tilespmem:$0x10800] =	vst v63  }
0x47: {  	v3 =	vld [tilespmem:$0x10410];
	_ =	sdelay $0x4  }
0x48: {  	v49 =	vshll.u32 v3, $0x3  }
0x49: {  	v3 =	vand.u32 $0x7, v3;
	v4 =	vand.u32 $0xFFFFFFC0, v49  }
0x4a: {  	v3 =	vor.u32 v3, v4  }
0x4b: {  	v4 =	vperm.xlane v3, v0;
	_ =	sdelay $0x1  }
0x4c: {  	v4 =	vadd.s32 v1, v4;
	_ =	sdelay $0x3  }
0x4d: {  	s5 =	simm.s32 $0x4000  }
0x4e: {  	[hbm4b:s3+s2] =	stream.indirect_vreg.scatter [tilespmem:s5], [sflag:$0x3], $0x80, v4, vm0, $0xb8;
	[tilespmem:$0x10800] =	vst v63  }
0x4f: {  	s9 =	simm.s32 $0x4800;
	v3 =	vperm.xlane v3, v2  }
0x50: {  	[hbm4b:s6+s2] =	stream.indirect_vreg.scatter [tilespmem:s9], [sflag:$0x3], $0x80, v4, vm0, $0xb8;
	[tilespmem:$0x10800] =	vst v63  }
0x51: {  	s10 =	simm.s32 $0x5000;
	v3 =	vadd.s32 v1, v3  }
0x52: {  	[hbm4b:s7+s2] =	stream.indirect_vreg.scatter [tilespmem:s10], [sflag:$0x3], $0x80, v4, vm0, $0xb8;
	[tilespmem:$0x10800] =	vst v63  }
0x53: {  	s11 =	simm.s32 $0x5800  }
0x54: {  	[hbm4b:s8+s2] =	stream.indirect_vreg.scatter [tilespmem:s11], [sflag:$0x3], $0x80, v4, vm0, $0xb8;
	[tilespmem:$0x10800] =	vst v63  }
0x55: {  	s13 =	simm.s32 $0x6000  }
0x56: {  	[hbm4b:s3+s2] =	stream.indirect_vreg.scatter [tilespmem:s13], [sflag:$0x3], $0x80, v3, vm0, $0xb8;
	[tilespmem:$0x10800] =	vst v63  }
0x57: {  	s14 =	simm.s32 $0x6800  }
0x58: {  	[hbm4b:s6+s2] =	stream.indirect_vreg.scatter [tilespmem:s14], [sflag:$0x3], $0x80, v3, vm0, $0xb8;
	[tilespmem:$0x10800] =	vst v63  }
0x59: {  	s24 =	simm.s32 $0x7000  }
0x5a: {  	[hbm4b:s7+s2] =	stream.indirect_vreg.scatter [tilespmem:s24], [sflag:$0x3], $0x80, v3, vm0, $0xb8;
	[tilespmem:$0x10800] =	vst v63  }
0x5b: {  	s25 =	simm.s32 $0x7800  }
0x5c: {  	[hbm4b:s8+s2] =	stream.indirect_vreg.scatter [tilespmem:s25], [sflag:$0x3], $0x80, v3, vm0, $0xb8;
	[tilespmem:$0x10800] =	vst v63  }
0x5d: {  	v3 =	vld [tilespmem:$0x10600];
	_ =	sdelay $0x4  }
0x5e: {  	v50 =	vshll.u32 v3, $0x3  }
0x5f: {  	v3 =	vand.u32 $0x7, v3;
	v4 =	vand.u32 $0xFFFFFFC0, v50  }
0x60: {  	v3 =	vor.u32 v3, v4  }
0x61: {  	v4 =	vperm.xlane v3, v0;
	_ =	sdelay $0x1  }
0x62: {  	v4 =	vadd.s32 v1, v4;
	_ =	sdelay $0x4  }
0x63: {  	[hbm4b:s3+s2] =	stream.indirect_vreg.scatter [tilespmem:s2], [sflag:$0x3], $0x80, v4, vm0, $0xb8;
	[tilespmem:$0x10800] =	vst v63  }
0x64: {  	s15 =	simm.s32 $0x800;
	v3 =	vperm.xlane v3, v2  }
0x65: {  	[hbm4b:s6+s2] =	stream.indirect_vreg.scatter [tilespmem:s15], [sflag:$0x3], $0x80, v4, vm0, $0xb8;
	[tilespmem:$0x10800] =	vst v63  }
0x66: {  	s1 =	simm.s32 $0x1000;
	v3 =	vadd.s32 v1, v3  }
0x67: {  	[hbm4b:s7+s2] =	stream.indirect_vreg.scatter [tilespmem:s1], [sflag:$0x3], $0x80, v4, vm0, $0xb8;
	[tilespmem:$0x10800] =	vst v63  }
0x68: {  	s12 =	simm.s32 $0x1800  }
0x69: {  	[hbm4b:s8+s2] =	stream.indirect_vreg.scatter [tilespmem:s12], [sflag:$0x3], $0x80, v4, vm0, $0xb8;
	[tilespmem:$0x10800] =	vst v63  }
0x6a: {  	s20 =	simm.s32 $0x2000  }
0x6b: {  	[hbm4b:s3+s2] =	stream.indirect_vreg.scatter [tilespmem:s20], [sflag:$0x3], $0x80, v3, vm0, $0xb8;
	[tilespmem:$0x10800] =	vst v63  }
0x6c: {  	s21 =	simm.s32 $0x2800  }
0x6d: {  	[hbm4b:s6+s2] =	stream.indirect_vreg.scatter [tilespmem:s21], [sflag:$0x3], $0x80, v3, vm0, $0xb8;
	[tilespmem:$0x10800] =	vst v63  }
0x6e: {  	s23 =	simm.s32 $0x3000  }
0x6f: {  	[hbm4b:s7+s2] =	stream.indirect_vreg.scatter [tilespmem:s23], [sflag:$0x3], $0x80, v3, vm0, $0xb8;
	[tilespmem:$0x10800] =	vst v63  }
0x70: {  	s16 =	simm.s32 $0x3800  }
0x71: {  	[hbm4b:s8+s2] =	stream.indirect_vreg.scatter [tilespmem:s16], [sflag:$0x3], $0x80, v3, vm0, $0xb8;
	[tilespmem:$0x10800] =	vst v63  }
0x72: {  	v3 =	vld [tilespmem:$0x10610];
	_ =	sdelay $0x4  }
0x73: {  	v51 =	vshll.u32 v3, $0x3  }
0x74: {  	v3 =	vand.u32 $0x7, v3;
	v4 =	vand.u32 $0xFFFFFFC0, v51  }
0x75: {  	v3 =	vor.u32 v3, v4  }
0x76: {  	v4 =	vperm.xlane v3, v0;
	_ =	sdelay $0x1  }
0x77: {  	v4 =	vadd.s32 v1, v4;
	_ =	sdelay $0x3  }
0x78: {  	s17 =	simm.s32 $0x4000  }
0x79: {  	[hbm4b:s3+s2] =	stream.indirect_vreg.scatter [tilespmem:s17], [sflag:$0x3], $0x80, v4, vm0, $0xb8;
	[tilespmem:$0x10800] =	vst v63  }
0x7a: {  	s18 =	simm.s32 $0x4800;
	v3 =	vperm.xlane v3, v2  }
0x7b: {  	[hbm4b:s6+s2] =	stream.indirect_vreg.scatter [tilespmem:s18], [sflag:$0x3], $0x80, v4, vm0, $0xb8;
	[tilespmem:$0x10800] =	vst v63  }
0x7c: {  	s4 =	simm.s32 $0x5000;
	v3 =	vadd.s32 v1, v3  }
0x7d: {  	[hbm4b:s7+s2] =	stream.indirect_vreg.scatter [tilespmem:s4], [sflag:$0x3], $0x80, v4, vm0, $0xb8;
	[tilespmem:$0x10800] =	vst v63  }
0x7e: {  	s5 =	simm.s32 $0x5800  }
0x7f: {  	[hbm4b:s8+s2] =	stream.indirect_vreg.scatter [tilespmem:s5], [sflag:$0x3], $0x80, v4, vm0, $0xb8;
	[tilespmem:$0x10800] =	vst v63  }
0x80: {  	s9 =	simm.s32 $0x6000  }
0x81: {  	[hbm4b:s3+s2] =	stream.indirect_vreg.scatter [tilespmem:s9], [sflag:$0x3], $0x80, v3, vm0, $0xb8;
	[tilespmem:$0x10800] =	vst v63  }
0x82: {  	s10 =	simm.s32 $0x6800  }
0x83: {  	[hbm4b:s6+s2] =	stream.indirect_vreg.scatter [tilespmem:s10], [sflag:$0x3], $0x80, v3, vm0, $0xb8;
	[tilespmem:$0x10800] =	vst v63  }
0x84: {  	s11 =	simm.s32 $0x7000  }
0x85: {  	[hbm4b:s7+s2] =	stream.indirect_vreg.scatter [tilespmem:s11], [sflag:$0x3], $0x80, v3, vm0, $0xb8;
	[tilespmem:$0x10800] =	vst v63  }
0x86: {  	s26 =	simm.s32 $0x7800  }
0x87: {  	[hbm4b:s8+s2] =	stream.indirect_vreg.scatter [tilespmem:s26], [sflag:$0x3], $0x80, v3, vm0, $0xb8;
	[tilespmem:$0x10800] =	vst v63  }
0x88: {  	_ =	swait.ge [sflag:s29], $0x8000  }
0x89: {  	[sflag:s29] =	ssyncset.done $0x0  }
0x8a: {  	[sflag:s29] =	ssyncadd.s32 $0xFFFF8000  }
0x8b: {  	_ =	swait.ge [sflag:s22], $0x8000  }
0x8c: {  	[sflag:s22] =	ssyncset.done $0x0  }
0x8d: {  	[sflag:s22] =	ssyncadd.s32 $0xFFFF8000  }
0x8e: {  	_ =	swait.ge [sflag:s22], $0x8000  }
0x8f: {  	[sflag:s22] =	ssyncset.done $0x0  }
0x90: {  	s5 =	rddreg [dreg:$0x8];
	[sflag:s22] =	ssyncadd.s32 $0xFFFF8000  }
0x91: {  	[tilespmem:s2], [sflag:$0x2] =	stream.linear.gather [hbm4b:s5+s2], $0x8000, $0x38;
	[tilespmem:$0x10800] =	vst v63  }
0x92: {  	v3 =	vld [tilespmem:$0x10480];
	_ =	sdelay $0x4  }
0x93: {  	v52 =	vshll.u32 v3, $0x3  }
0x94: {  	v3 =	vand.u32 $0x7, v3;
	v4 =	vand.u32 $0xFFFFFFC0, v52  }
0x95: {  	v3 =	vor.u32 v3, v4  }
0x96: {  	v4 =	vperm.xlane v3, v0;
	_ =	sdelay $0x1  }
0x97: {  	v4 =	vadd.s32 v1, v4;
	_ =	sdelay $0x3  }
0x98: {  	s0 =	simm.s32 $0x8000  }
0x99: {  	[hbm4b:s3+s2] =	stream.indirect_vreg.scatter [tilespmem:s0], [sflag:$0x4], $0x80, v4, vm0, $0xb8;
	[tilespmem:$0x10800] =	vst v63  }
0x9a: {  	s18 =	simm.s32 $0x8800;
	v3 =	vperm.xlane v3, v2  }
0x9b: {  	[hbm4b:s6+s2] =	stream.indirect_vreg.scatter [tilespmem:s18], [sflag:$0x4], $0x80, v4, vm0, $0xb8;
	[tilespmem:$0x10800] =	vst v63  }
0x9c: {  	s9 =	simm.s32 $0x9000;
	v3 =	vadd.s32 v1, v3  }
0x9d: {  	[hbm4b:s7+s2] =	stream.indirect_vreg.scatter [tilespmem:s9], [sflag:$0x4], $0x80, v4, vm0, $0xb8;
	[tilespmem:$0x10800] =	vst v63  }
0x9e: {  	s20 =	simm.s32 $0x9800  }
0x9f: {  	[hbm4b:s8+s2] =	stream.indirect_vreg.scatter [tilespmem:s20], [sflag:$0x4], $0x80, v4, vm0, $0xb8;
	[tilespmem:$0x10800] =	vst v63  }
0xa0: {  	s21 =	simm.s32 $0xA000  }
0xa1: {  	[hbm4b:s3+s2] =	stream.indirect_vreg.scatter [tilespmem:s21], [sflag:$0x4], $0x80, v3, vm0, $0xb8;
	[tilespmem:$0x10800] =	vst v63  }
0xa2: {  	s10 =	simm.s32 $0xA800  }
0xa3: {  	[hbm4b:s6+s2] =	stream.indirect_vreg.scatter [tilespmem:s10], [sflag:$0x4], $0x80, v3, vm0, $0xb8;
	[tilespmem:$0x10800] =	vst v63  }
0xa4: {  	s25 =	simm.s32 $0xB000  }
0xa5: {  	[hbm4b:s7+s2] =	stream.indirect_vreg.scatter [tilespmem:s25], [sflag:$0x4], $0x80, v3, vm0, $0xb8;
	[tilespmem:$0x10800] =	vst v63  }
0xa6: {  	s26 =	simm.s32 $0xB800  }
0xa7: {  	[hbm4b:s8+s2] =	stream.indirect_vreg.scatter [tilespmem:s26], [sflag:$0x4], $0x80, v3, vm0, $0xb8;
	[tilespmem:$0x10800] =	vst v63  }
0xa8: {  	v3 =	vld [tilespmem:$0x10490];
	_ =	sdelay $0x4  }
0xa9: {  	v53 =	vshll.u32 v3, $0x3  }
0xaa: {  	v3 =	vand.u32 $0x7, v3;
	v4 =	vand.u32 $0xFFFFFFC0, v53  }
0xab: {  	v3 =	vor.u32 v3, v4  }
0xac: {  	v4 =	vperm.xlane v3, v0;
	_ =	sdelay $0x1  }
0xad: {  	v4 =	vadd.s32 v1, v4;
	_ =	sdelay $0x3  }
0xae: {  	s12 =	simm.s32 $0xC000  }
0xaf: {  	[hbm4b:s3+s2] =	stream.indirect_vreg.scatter [tilespmem:s12], [sflag:$0x4], $0x80, v4, vm0, $0xb8;
	[tilespmem:$0x10800] =	vst v63  }
0xb0: {  	s13 =	simm.s32 $0xC800;
	v3 =	vperm.xlane v3, v2  }
0xb1: {  	[hbm4b:s6+s2] =	stream.indirect_vreg.scatter [tilespmem:s13], [sflag:$0x4], $0x80, v4, vm0, $0xb8;
	[tilespmem:$0x10800] =	vst v63  }
0xb2: {  	s14 =	simm.s32 $0xD000;
	v3 =	vadd.s32 v1, v3  }
0xb3: {  	[hbm4b:s7+s2] =	stream.indirect_vreg.scatter [tilespmem:s14], [sflag:$0x4], $0x80, v4, vm0, $0xb8;
	[tilespmem:$0x10800] =	vst v63  }
0xb4: {  	s15 =	simm.s32 $0xD800  }
0xb5: {  	[hbm4b:s8+s2] =	stream.indirect_vreg.scatter [tilespmem:s15], [sflag:$0x4], $0x80, v4, vm0, $0xb8;
	[tilespmem:$0x10800] =	vst v63  }
0xb6: {  	s17 =	simm.s32 $0xE000  }
0xb7: {  	[hbm4b:s3+s2] =	stream.indirect_vreg.scatter [tilespmem:s17], [sflag:$0x4], $0x80, v3, vm0, $0xb8;
	[tilespmem:$0x10800] =	vst v63  }
0xb8: {  	s13 =	simm.s32 $0xE800  }
0xb9: {  	[hbm4b:s6+s2] =	stream.indirect_vreg.scatter [tilespmem:s13], [sflag:$0x4], $0x80, v3, vm0, $0xb8;
	[tilespmem:$0x10800] =	vst v63  }
0xba: {  	s17 =	simm.s32 $0xF000  }
0xbb: {  	[hbm4b:s7+s2] =	stream.indirect_vreg.scatter [tilespmem:s17], [sflag:$0x4], $0x80, v3, vm0, $0xb8;
	[tilespmem:$0x10800] =	vst v63  }
0xbc: {  	s24 =	simm.s32 $0xF800  }
0xbd: {  	[hbm4b:s8+s2] =	stream.indirect_vreg.scatter [tilespmem:s24], [sflag:$0x4], $0x80, v3, vm0, $0xb8;
	[tilespmem:$0x10800] =	vst v63  }
0xbe: {  	v3 =	vld [tilespmem:$0x10680];
	_ =	sdelay $0x4  }
0xbf: {  	v54 =	vshll.u32 v3, $0x3  }
0xc0: {  	v3 =	vand.u32 $0x7, v3;
	v4 =	vand.u32 $0xFFFFFFC0, v54  }
0xc1: {  	v3 =	vor.u32 v3, v4  }
0xc2: {  	v4 =	vperm.xlane v3, v0;
	_ =	sdelay $0x1  }
0xc3: {  	v4 =	vadd.s32 v1, v4;
	_ =	sdelay $0x4  }
0xc4: {  	[hbm4b:s3+s2] =	stream.indirect_vreg.scatter [tilespmem:s0], [sflag:$0x4], $0x80, v4, vm0, $0xb8;
	[tilespmem:$0x10800] =	vst v63  }
0xc5: {  	v3 =	vperm.xlane v3, v2  }
0xc6: {  	[hbm4b:s6+s2] =	stream.indirect_vreg.scatter [tilespmem:s18], [sflag:$0x4], $0x80, v4, vm0, $0xb8;
	[tilespmem:$0x10800] =	vst v63  }
0xc7: {  	s11 =	simm.s32 $0x9000;
	v3 =	vadd.s32 v1, v3  }
0xc8: {  	[hbm4b:s7+s2] =	stream.indirect_vreg.scatter [tilespmem:s11], [sflag:$0x4], $0x80, v4, vm0, $0xb8;
	[tilespmem:$0x10800] =	vst v63  }
0xc9: {  	_ = 	snop  }
0xca: {  	[hbm4b:s8+s2] =	stream.indirect_vreg.scatter [tilespmem:s20], [sflag:$0x4], $0x80, v4, vm0, $0xb8;
	[tilespmem:$0x10800] =	vst v63  }
0xcb: {  	_ = 	snop  }
0xcc: {  	[hbm4b:s3+s2] =	stream.indirect_vreg.scatter [tilespmem:s21], [sflag:$0x4], $0x80, v3, vm0, $0xb8;
	[tilespmem:$0x10800] =	vst v63  }
0xcd: {  	s5 =	simm.s32 $0xA800  }
0xce: {  	[hbm4b:s6+s2] =	stream.indirect_vreg.scatter [tilespmem:s5], [sflag:$0x4], $0x80, v3, vm0, $0xb8;
	[tilespmem:$0x10800] =	vst v63  }
0xcf: {  	_ = 	snop  }
0xd0: {  	[hbm4b:s7+s2] =	stream.indirect_vreg.scatter [tilespmem:s25], [sflag:$0x4], $0x80, v3, vm0, $0xb8;
	[tilespmem:$0x10800] =	vst v63  }
0xd1: {  	_ = 	snop  }
0xd2: {  	[hbm4b:s8+s2] =	stream.indirect_vreg.scatter [tilespmem:s26], [sflag:$0x4], $0x80, v3, vm0, $0xb8;
	[tilespmem:$0x10800] =	vst v63  }
0xd3: {  	v3 =	vld [tilespmem:$0x10690];
	_ =	sdelay $0x4  }
0xd4: {  	v55 =	vshll.u32 v3, $0x3  }
0xd5: {  	v3 =	vand.u32 $0x7, v3;
	v4 =	vand.u32 $0xFFFFFFC0, v55  }
0xd6: {  	v3 =	vor.u32 v3, v4  }
0xd7: {  	v4 =	vperm.xlane v3, v0;
	_ =	sdelay $0x1  }
0xd8: {  	v4 =	vadd.s32 v1, v4;
	_ =	sdelay $0x3  }
0xd9: {  	s1 =	simm.s32 $0xC000  }
0xda: {  	[hbm4b:s3+s2] =	stream.indirect_vreg.scatter [tilespmem:s1], [sflag:$0x4], $0x80, v4, vm0, $0xb8;
	[tilespmem:$0x10800] =	vst v63  }
0xdb: {  	s4 =	simm.s32 $0xC800;
	v3 =	vperm.xlane v3, v2  }
0xdc: {  	[hbm4b:s6+s2] =	stream.indirect_vreg.scatter [tilespmem:s4], [sflag:$0x4], $0x80, v4, vm0, $0xb8;
	[tilespmem:$0x10800] =	vst v63  }
0xdd: {  	s9 =	simm.s32 $0xD000;
	v3 =	vadd.s32 v1, v3  }
0xde: {  	[hbm4b:s7+s2] =	stream.indirect_vreg.scatter [tilespmem:s9], [sflag:$0x4], $0x80, v4, vm0, $0xb8;
	[tilespmem:$0x10800] =	vst v63  }
0xdf: {  	s16 =	simm.s32 $0xD800  }
0xe0: {  	[hbm4b:s8+s2] =	stream.indirect_vreg.scatter [tilespmem:s16], [sflag:$0x4], $0x80, v4, vm0, $0xb8;
	[tilespmem:$0x10800] =	vst v63  }
0xe1: {  	s23 =	simm.s32 $0xE000  }
0xe2: {  	[hbm4b:s3+s2] =	stream.indirect_vreg.scatter [tilespmem:s23], [sflag:$0x4], $0x80, v3, vm0, $0xb8;
	[tilespmem:$0x10800] =	vst v63  }
0xe3: {  	s14 =	simm.s32 $0xE800  }
0xe4: {  	[hbm4b:s6+s2] =	stream.indirect_vreg.scatter [tilespmem:s14], [sflag:$0x4], $0x80, v3, vm0, $0xb8;
	[tilespmem:$0x10800] =	vst v63  }
0xe5: {  	_ = 	snop  }
0xe6: {  	[hbm4b:s7+s2] =	stream.indirect_vreg.scatter [tilespmem:s17], [sflag:$0x4], $0x80, v3, vm0, $0xb8;
	[tilespmem:$0x10800] =	vst v63  }
0xe7: {  	_ = 	snop  }
0xe8: {  	[hbm4b:s8+s2] =	stream.indirect_vreg.scatter [tilespmem:s24], [sflag:$0x4], $0x80, v3, vm0, $0xb8;
	[tilespmem:$0x10800] =	vst v63  }
0xe9: {  	_ =	swait.ge [sflag:s29], $0x8000  }
0xea: {  	[sflag:s29] =	ssyncset.done $0x0  }
0xeb: {  	s9 =	simm.s32 $0x4;
	[sflag:s29] =	ssyncadd.s32 $0xFFFF8000  }
0xec: {  	_ =	swait.ge [sflag:s9], $0x8000  }
0xed: {  	[sflag:s9] =	ssyncset.done $0x0  }
0xee: {  	[sflag:s9] =	ssyncadd.s32 $0xFFFF8000  }
0xef: {  	_ =	swait.ge [sflag:s9], $0x8000  }
0xf0: {  	[sflag:s9] =	ssyncset.done $0x0  }
0xf1: {  	s15 =	simm.s32 $0x8000;
	s16 =	rddreg [dreg:$0x9];
	[sflag:s9] =	ssyncadd.s32 $0xFFFF8000  }
0xf2: {  	[tilespmem:s15], [sflag:$0x2] =	stream.linear.gather [hbm4b:s16+s2], $0x8000, $0x38;
	[tilespmem:$0x10800] =	vst v63  }
0xf3: {  	v3 =	vld [tilespmem:$0x10500];
	_ =	sdelay $0x4  }
0xf4: {  	v56 =	vshll.u32 v3, $0x3  }
0xf5: {  	v3 =	vand.u32 $0x7, v3;
	v4 =	vand.u32 $0xFFFFFFC0, v56  }
0xf6: {  	v3 =	vor.u32 v3, v4  }
0xf7: {  	v4 =	vperm.xlane v3, v0;
	_ =	sdelay $0x1  }
0xf8: {  	v4 =	vadd.s32 v1, v4;
	_ =	sdelay $0x4  }
0xf9: {  	[hbm4b:s3+s2] =	stream.indirect_vreg.scatter [tilespmem:s2], [sflag:$0x3], $0x80, v4, vm0, $0xb8;
	[tilespmem:$0x10800] =	vst v63  }
0xfa: {  	v3 =	vperm.xlane v3, v2  }
0xfb: {  	[hbm4b:s6+s2] =	stream.indirect_vreg.scatter [tilespmem:s31], [sflag:$0x3], $0x80, v4, vm0, $0xb8;
	[tilespmem:$0x10800] =	vst v63  }
0xfc: {  	s23 =	simm.s32 $0x1000;
	v3 =	vadd.s32 v1, v3  }
0xfd: {  	[hbm4b:s7+s2] =	stream.indirect_vreg.scatter [tilespmem:s23], [sflag:$0x3], $0x80, v4, vm0, $0xb8;
	[tilespmem:$0x10800] =	vst v63  }
0xfe: {  	s13 =	simm.s32 $0x1800  }
0xff: {  	[hbm4b:s8+s2] =	stream.indirect_vreg.scatter [tilespmem:s13], [sflag:$0x3], $0x80, v4, vm0, $0xb8;
	[tilespmem:$0x10800] =	vst v63  }
0x100: {  	s14 =	simm.s32 $0x2000  }
0x101: {  	[hbm4b:s3+s2] =	stream.indirect_vreg.scatter [tilespmem:s14], [sflag:$0x3], $0x80, v3, vm0, $0xb8;
	[tilespmem:$0x10800] =	vst v63  }
0x102: {  	s15 =	simm.s32 $0x2800  }
0x103: {  	[hbm4b:s6+s2] =	stream.indirect_vreg.scatter [tilespmem:s15], [sflag:$0x3], $0x80, v3, vm0, $0xb8;
	[tilespmem:$0x10800] =	vst v63  }
0x104: {  	s16 =	simm.s32 $0x3000  }
0x105: {  	[hbm4b:s7+s2] =	stream.indirect_vreg.scatter [tilespmem:s16], [sflag:$0x3], $0x80, v3, vm0, $0xb8;
	[tilespmem:$0x10800] =	vst v63  }
0x106: {  	_ = 	snop  }
0x107: {  	[hbm4b:s8+s2] =	stream.indirect_vreg.scatter [tilespmem:s28], [sflag:$0x3], $0x80, v3, vm0, $0xb8;
	[tilespmem:$0x10800] =	vst v63  }
0x108: {  	v3 =	vld [tilespmem:$0x10510];
	_ =	sdelay $0x4  }
0x109: {  	v57 =	vshll.u32 v3, $0x3  }
0x10a: {  	v3 =	vand.u32 $0x7, v3;
	v4 =	vand.u32 $0xFFFFFFC0, v57  }
0x10b: {  	v3 =	vor.u32 v3, v4  }
0x10c: {  	v4 =	vperm.xlane v3, v0;
	_ =	sdelay $0x1  }
0x10d: {  	v4 =	vadd.s32 v1, v4;
	_ =	sdelay $0x4  }
0x10e: {  	[hbm4b:s3+s2] =	stream.indirect_vreg.scatter [tilespmem:s30], [sflag:$0x3], $0x80, v4, vm0, $0xb8;
	[tilespmem:$0x10800] =	vst v63  }
0x10f: {  	s11 =	simm.s32 $0x4800;
	v3 =	vperm.xlane v3, v2  }
0x110: {  	[hbm4b:s6+s2] =	stream.indirect_vreg.scatter [tilespmem:s11], [sflag:$0x3], $0x80, v4, vm0, $0xb8;
	[tilespmem:$0x10800] =	vst v63  }
0x111: {  	s0 =	simm.s32 $0x5000;
	v3 =	vadd.s32 v1, v3  }
0x112: {  	[hbm4b:s7+s2] =	stream.indirect_vreg.scatter [tilespmem:s0], [sflag:$0x3], $0x80, v4, vm0, $0xb8;
	[tilespmem:$0x10800] =	vst v63  }
0x113: {  	s1 =	simm.s32 $0x5800  }
0x114: {  	[hbm4b:s8+s2] =	stream.indirect_vreg.scatter [tilespmem:s1], [sflag:$0x3], $0x80, v4, vm0, $0xb8;
	[tilespmem:$0x10800] =	vst v63  }
0x115: {  	s4 =	simm.s32 $0x6000  }
0x116: {  	[hbm4b:s3+s2] =	stream.indirect_vreg.scatter [tilespmem:s4], [sflag:$0x3], $0x80, v3, vm0, $0xb8;
	[tilespmem:$0x10800] =	vst v63  }
0x117: {  	s5 =	simm.s32 $0x6800  }
0x118: {  	[hbm4b:s6+s2] =	stream.indirect_vreg.scatter [tilespmem:s5], [sflag:$0x3], $0x80, v3, vm0, $0xb8;
	[tilespmem:$0x10800] =	vst v63  }
0x119: {  	s10 =	simm.s32 $0x7000  }
0x11a: {  	[hbm4b:s7+s2] =	stream.indirect_vreg.scatter [tilespmem:s10], [sflag:$0x3], $0x80, v3, vm0, $0xb8;
	[tilespmem:$0x10800] =	vst v63  }
0x11b: {  	s12 =	simm.s32 $0x7800  }
0x11c: {  	[hbm4b:s8+s2] =	stream.indirect_vreg.scatter [tilespmem:s12], [sflag:$0x3], $0x80, v3, vm0, $0xb8;
	[tilespmem:$0x10800] =	vst v63  }
0x11d: {  	v3 =	vld [tilespmem:$0x10700];
	_ =	sdelay $0x4  }
0x11e: {  	v58 =	vshll.u32 v3, $0x3  }
0x11f: {  	v3 =	vand.u32 $0x7, v3;
	v4 =	vand.u32 $0xFFFFFFC0, v58  }
0x120: {  	v3 =	vor.u32 v3, v4  }
0x121: {  	v4 =	vperm.xlane v3, v0;
	_ =	sdelay $0x1  }
0x122: {  	v4 =	vadd.s32 v1, v4;
	_ =	sdelay $0x4  }
0x123: {  	[hbm4b:s3+s2] =	stream.indirect_vreg.scatter [tilespmem:s2], [sflag:$0x3], $0x80, v4, vm0, $0xb8;
	[tilespmem:$0x10800] =	vst v63  }
0x124: {  	v3 =	vperm.xlane v3, v2  }
0x125: {  	[hbm4b:s6+s2] =	stream.indirect_vreg.scatter [tilespmem:s31], [sflag:$0x3], $0x80, v4, vm0, $0xb8;
	[tilespmem:$0x10800] =	vst v63  }
0x126: {  	v3 =	vadd.s32 v1, v3  }
0x127: {  	[hbm4b:s7+s2] =	stream.indirect_vreg.scatter [tilespmem:s23], [sflag:$0x3], $0x80, v4, vm0, $0xb8;
	[tilespmem:$0x10800] =	vst v63  }
0x128: {  	_ = 	snop  }
0x129: {  	[hbm4b:s8+s2] =	stream.indirect_vreg.scatter [tilespmem:s13], [sflag:$0x3], $0x80, v4, vm0, $0xb8;
	[tilespmem:$0x10800] =	vst v63  }
0x12a: {  	_ = 	snop  }
0x12b: {  	[hbm4b:s3+s2] =	stream.indirect_vreg.scatter [tilespmem:s14], [sflag:$0x3], $0x80, v3, vm0, $0xb8;
	[tilespmem:$0x10800] =	vst v63  }
0x12c: {  	_ = 	snop  }
0x12d: {  	[hbm4b:s6+s2] =	stream.indirect_vreg.scatter [tilespmem:s15], [sflag:$0x3], $0x80, v3, vm0, $0xb8;
	[tilespmem:$0x10800] =	vst v63  }
0x12e: {  	_ = 	snop  }
0x12f: {  	[hbm4b:s7+s2] =	stream.indirect_vreg.scatter [tilespmem:s16], [sflag:$0x3], $0x80, v3, vm0, $0xb8;
	[tilespmem:$0x10800] =	vst v63  }
0x130: {  	_ = 	snop  }
0x131: {  	[hbm4b:s8+s2] =	stream.indirect_vreg.scatter [tilespmem:s28], [sflag:$0x3], $0x80, v3, vm0, $0xb8;
	[tilespmem:$0x10800] =	vst v63  }
0x132: {  	v3 =	vld [tilespmem:$0x10710];
	_ =	sdelay $0x4  }
0x133: {  	v59 =	vshll.u32 v3, $0x3  }
0x134: {  	v3 =	vand.u32 $0x7, v3;
	v4 =	vand.u32 $0xFFFFFFC0, v59  }
0x135: {  	v3 =	vor.u32 v3, v4  }
0x136: {  	v4 =	vperm.xlane v3, v0;
	_ =	sdelay $0x1  }
0x137: {  	v4 =	vadd.s32 v1, v4;
	_ =	sdelay $0x4  }
0x138: {  	[hbm4b:s3+s2] =	stream.indirect_vreg.scatter [tilespmem:s30], [sflag:$0x3], $0x80, v4, vm0, $0xb8;
	[tilespmem:$0x10800] =	vst v63  }
0x139: {  	v3 =	vperm.xlane v3, v2  }
0x13a: {  	[hbm4b:s6+s2] =	stream.indirect_vreg.scatter [tilespmem:s11], [sflag:$0x3], $0x80, v4, vm0, $0xb8;
	[tilespmem:$0x10800] =	vst v63  }
0x13b: {  	v3 =	vadd.s32 v1, v3  }
0x13c: {  	[hbm4b:s7+s2] =	stream.indirect_vreg.scatter [tilespmem:s0], [sflag:$0x3], $0x80, v4, vm0, $0xb8;
	[tilespmem:$0x10800] =	vst v63  }
0x13d: {  	_ = 	snop  }
0x13e: {  	[hbm4b:s8+s2] =	stream.indirect_vreg.scatter [tilespmem:s1], [sflag:$0x3], $0x80, v4, vm0, $0xb8;
	[tilespmem:$0x10800] =	vst v63  }
0x13f: {  	_ = 	snop  }
0x140: {  	[hbm4b:s3+s2] =	stream.indirect_vreg.scatter [tilespmem:s4], [sflag:$0x3], $0x80, v3, vm0, $0xb8;
	[tilespmem:$0x10800] =	vst v63  }
0x141: {  	_ = 	snop  }
0x142: {  	[hbm4b:s6+s2] =	stream.indirect_vreg.scatter [tilespmem:s5], [sflag:$0x3], $0x80, v3, vm0, $0xb8;
	[tilespmem:$0x10800] =	vst v63  }
0x143: {  	_ = 	snop  }
0x144: {  	[hbm4b:s7+s2] =	stream.indirect_vreg.scatter [tilespmem:s10], [sflag:$0x3], $0x80, v3, vm0, $0xb8;
	[tilespmem:$0x10800] =	vst v63  }
0x145: {  	_ = 	snop  }
0x146: {  	[hbm4b:s8+s2] =	stream.indirect_vreg.scatter [tilespmem:s12], [sflag:$0x3], $0x80, v3, vm0, $0xb8;
	[tilespmem:$0x10800] =	vst v63  }
0x147: {  	_ =	swait.ge [sflag:s29], $0x8000  }
0x148: {  	[sflag:s29] =	ssyncset.done $0x0  }
0x149: {  	[sflag:s29] =	ssyncadd.s32 $0xFFFF8000  }
0x14a: {  	v3 =	vld [tilespmem:$0x10580];
	_ =	sdelay $0x4  }
0x14b: {  	v60 =	vshll.u32 v3, $0x3  }
0x14c: {  	v3 =	vand.u32 $0x7, v3;
	v4 =	vand.u32 $0xFFFFFFC0, v60  }
0x14d: {  	v3 =	vor.u32 v3, v4  }
0x14e: {  	v4 =	vperm.xlane v3, v0;
	_ =	sdelay $0x1  }
0x14f: {  	v4 =	vadd.s32 v1, v4;
	_ =	sdelay $0x3  }
0x150: {  	s1 =	simm.s32 $0x8000  }
0x151: {  	[hbm4b:s3+s2] =	stream.indirect_vreg.scatter [tilespmem:s1], [sflag:$0x4], $0x80, v4, vm0, $0xb8;
	[tilespmem:$0x10800] =	vst v63  }
0x152: {  	v3 =	vperm.xlane v3, v2  }
0x153: {  	[hbm4b:s6+s2] =	stream.indirect_vreg.scatter [tilespmem:s18], [sflag:$0x4], $0x80, v4, vm0, $0xb8;
	[tilespmem:$0x10800] =	vst v63  }
0x154: {  	s4 =	simm.s32 $0x9000;
	v3 =	vadd.s32 v1, v3  }
0x155: {  	[hbm4b:s7+s2] =	stream.indirect_vreg.scatter [tilespmem:s4], [sflag:$0x4], $0x80, v4, vm0, $0xb8;
	[tilespmem:$0x10800] =	vst v63  }
0x156: {  	_ = 	snop  }
0x157: {  	[hbm4b:s8+s2] =	stream.indirect_vreg.scatter [tilespmem:s20], [sflag:$0x4], $0x80, v4, vm0, $0xb8;
	[tilespmem:$0x10800] =	vst v63  }
0x158: {  	_ = 	snop  }
0x159: {  	[hbm4b:s3+s2] =	stream.indirect_vreg.scatter [tilespmem:s21], [sflag:$0x4], $0x80, v3, vm0, $0xb8;
	[tilespmem:$0x10800] =	vst v63  }
0x15a: {  	s5 =	simm.s32 $0xA800  }
0x15b: {  	[hbm4b:s6+s2] =	stream.indirect_vreg.scatter [tilespmem:s5], [sflag:$0x4], $0x80, v3, vm0, $0xb8;
	[tilespmem:$0x10800] =	vst v63  }
0x15c: {  	_ = 	snop  }
0x15d: {  	[hbm4b:s7+s2] =	stream.indirect_vreg.scatter [tilespmem:s25], [sflag:$0x4], $0x80, v3, vm0, $0xb8;
	[tilespmem:$0x10800] =	vst v63  }
0x15e: {  	_ = 	snop  }
0x15f: {  	[hbm4b:s8+s2] =	stream.indirect_vreg.scatter [tilespmem:s26], [sflag:$0x4], $0x80, v3, vm0, $0xb8;
	[tilespmem:$0x10800] =	vst v63  }
0x160: {  	v3 =	vld [tilespmem:$0x10590];
	_ =	sdelay $0x4  }
0x161: {  	v61 =	vshll.u32 v3, $0x3  }
0x162: {  	v3 =	vand.u32 $0x7, v3;
	v4 =	vand.u32 $0xFFFFFFC0, v61  }
0x163: {  	v3 =	vor.u32 v3, v4  }
0x164: {  	v4 =	vperm.xlane v3, v0;
	_ =	sdelay $0x1  }
0x165: {  	v4 =	vadd.s32 v1, v4;
	_ =	sdelay $0x3  }
0x166: {  	s10 =	simm.s32 $0xC000  }
0x167: {  	[hbm4b:s3+s2] =	stream.indirect_vreg.scatter [tilespmem:s10], [sflag:$0x4], $0x80, v4, vm0, $0xb8;
	[tilespmem:$0x10800] =	vst v63  }
0x168: {  	s12 =	simm.s32 $0xC800;
	v3 =	vperm.xlane v3, v2  }
0x169: {  	[hbm4b:s6+s2] =	stream.indirect_vreg.scatter [tilespmem:s12], [sflag:$0x4], $0x80, v4, vm0, $0xb8;
	[tilespmem:$0x10800] =	vst v63  }
0x16a: {  	s13 =	simm.s32 $0xD000;
	v3 =	vadd.s32 v1, v3  }
0x16b: {  	[hbm4b:s7+s2] =	stream.indirect_vreg.scatter [tilespmem:s13], [sflag:$0x4], $0x80, v4, vm0, $0xb8;
	[tilespmem:$0x10800] =	vst v63  }
0x16c: {  	s15 =	simm.s32 $0xD800  }
0x16d: {  	[hbm4b:s8+s2] =	stream.indirect_vreg.scatter [tilespmem:s15], [sflag:$0x4], $0x80, v4, vm0, $0xb8;
	[tilespmem:$0x10800] =	vst v63  }
0x16e: {  	s16 =	simm.s32 $0xE000  }
0x16f: {  	[hbm4b:s3+s2] =	stream.indirect_vreg.scatter [tilespmem:s16], [sflag:$0x4], $0x80, v3, vm0, $0xb8;
	[tilespmem:$0x10800] =	vst v63  }
0x170: {  	s23 =	simm.s32 $0xE800  }
0x171: {  	[hbm4b:s6+s2] =	stream.indirect_vreg.scatter [tilespmem:s23], [sflag:$0x4], $0x80, v3, vm0, $0xb8;
	[tilespmem:$0x10800] =	vst v63  }
0x172: {  	_ = 	snop  }
0x173: {  	[hbm4b:s7+s2] =	stream.indirect_vreg.scatter [tilespmem:s17], [sflag:$0x4], $0x80, v3, vm0, $0xb8;
	[tilespmem:$0x10800] =	vst v63  }
0x174: {  	_ = 	snop  }
0x175: {  	[hbm4b:s8+s2] =	stream.indirect_vreg.scatter [tilespmem:s24], [sflag:$0x4], $0x80, v3, vm0, $0xb8;
	[tilespmem:$0x10800] =	vst v63  }
0x176: {  	v3 =	vld [tilespmem:$0x10780];
	_ =	sdelay $0x4  }
0x177: {  	v62 =	vshll.u32 v3, $0x3  }
0x178: {  	v3 =	vand.u32 $0x7, v3;
	v4 =	vand.u32 $0xFFFFFFC0, v62  }
0x179: {  	v3 =	vor.u32 v3, v4  }
0x17a: {  	v4 =	vperm.xlane v3, v0;
	_ =	sdelay $0x1  }
0x17b: {  	v4 =	vadd.s32 v1, v4;
	_ =	sdelay $0x4  }
0x17c: {  	[hbm4b:s3+s2] =	stream.indirect_vreg.scatter [tilespmem:s1], [sflag:$0x4], $0x80, v4, vm0, $0xb8;
	[tilespmem:$0x10800] =	vst v63  }
0x17d: {  	v3 =	vperm.xlane v3, v2  }
0x17e: {  	[hbm4b:s6+s2] =	stream.indirect_vreg.scatter [tilespmem:s18], [sflag:$0x4], $0x80, v4, vm0, $0xb8;
	[tilespmem:$0x10800] =	vst v63  }
0x17f: {  	v3 =	vadd.s32 v1, v3  }
0x180: {  	[hbm4b:s7+s2] =	stream.indirect_vreg.scatter [tilespmem:s4], [sflag:$0x4], $0x80, v4, vm0, $0xb8;
	[tilespmem:$0x10800] =	vst v63  }
0x181: {  	_ = 	snop  }
0x182: {  	[hbm4b:s8+s2] =	stream.indirect_vreg.scatter [tilespmem:s20], [sflag:$0x4], $0x80, v4, vm0, $0xb8;
	[tilespmem:$0x10800] =	vst v63  }
0x183: {  	_ = 	snop  }
0x184: {  	[hbm4b:s3+s2] =	stream.indirect_vreg.scatter [tilespmem:s21], [sflag:$0x4], $0x80, v3, vm0, $0xb8;
	[tilespmem:$0x10800] =	vst v63  }
0x185: {  	_ = 	snop  }
0x186: {  	[hbm4b:s6+s2] =	stream.indirect_vreg.scatter [tilespmem:s5], [sflag:$0x4], $0x80, v3, vm0, $0xb8;
	[tilespmem:$0x10800] =	vst v63  }
0x187: {  	_ = 	snop  }
0x188: {  	[hbm4b:s7+s2] =	stream.indirect_vreg.scatter [tilespmem:s25], [sflag:$0x4], $0x80, v3, vm0, $0xb8;
	[tilespmem:$0x10800] =	vst v63  }
0x189: {  	_ = 	snop  }
0x18a: {  	[hbm4b:s8+s2] =	stream.indirect_vreg.scatter [tilespmem:s26], [sflag:$0x4], $0x80, v3, vm0, $0xb8;
	[tilespmem:$0x10800] =	vst v63  }
0x18b: {  	v3 =	vld [tilespmem:$0x10790];
	_ =	sdelay $0x4  }
0x18c: {  	v63 =	vshll.u32 v3, $0x3  }
0x18d: {  	v3 =	vand.u32 $0x7, v3;
	v4 =	vand.u32 $0xFFFFFFC0, v63  }
0x18e: {  	v3 =	vor.u32 v3, v4  }
0x18f: {  	v4 =	vperm.xlane v3, v0;
	_ =	sdelay $0x1  }
0x190: {  	v4 =	vadd.s32 v1, v4;
	_ =	sdelay $0x4  }
0x191: {  	[hbm4b:s3+s2] =	stream.indirect_vreg.scatter [tilespmem:s10], [sflag:$0x4], $0x80, v4, vm0, $0xb8;
	[tilespmem:$0x10800] =	vst v63  }
0x192: {  	v3 =	vperm.xlane v3, v2  }
0x193: {  	[hbm4b:s6+s2] =	stream.indirect_vreg.scatter [tilespmem:s12], [sflag:$0x4], $0x80, v4, vm0, $0xb8;
	[tilespmem:$0x10800] =	vst v63  }
0x194: {  	v3 =	vadd.s32 v1, v3  }
0x195: {  	[hbm4b:s7+s2] =	stream.indirect_vreg.scatter [tilespmem:s13], [sflag:$0x4], $0x80, v4, vm0, $0xb8;
	[tilespmem:$0x10800] =	vst v63  }
0x196: {  	_ = 	snop  }
0x197: {  	[hbm4b:s8+s2] =	stream.indirect_vreg.scatter [tilespmem:s15], [sflag:$0x4], $0x80, v4, vm0, $0xb8;
	[tilespmem:$0x10800] =	vst v63  }
0x198: {  	_ = 	snop  }
0x199: {  	[hbm4b:s3+s2] =	stream.indirect_vreg.scatter [tilespmem:s16], [sflag:$0x4], $0x80, v3, vm0, $0xb8;
	[tilespmem:$0x10800] =	vst v63  }
0x19a: {  	_ = 	snop  }
0x19b: {  	[hbm4b:s6+s2] =	stream.indirect_vreg.scatter [tilespmem:s23], [sflag:$0x4], $0x80, v3, vm0, $0xb8;
	[tilespmem:$0x10800] =	vst v63  }
0x19c: {  	_ = 	snop  }
0x19d: {  	[hbm4b:s7+s2] =	stream.indirect_vreg.scatter [tilespmem:s17], [sflag:$0x4], $0x80, v3, vm0, $0xb8;
	[tilespmem:$0x10800] =	vst v63  }
0x19e: {  	_ = 	snop  }
0x19f: {  	[hbm4b:s8+s2] =	stream.indirect_vreg.scatter [tilespmem:s24], [sflag:$0x4], $0x80, v3, vm0, $0xb8;
	[tilespmem:$0x10800] =	vst v63  }
0x1a0: {  	_ =	swait.ge [sflag:s22], $0x8000  }
0x1a1: {  	[sflag:s22] =	ssyncset.done $0x0  }
0x1a2: {  	[sflag:s22] =	ssyncadd.s32 $0xFFFF8000  }
0x1a3: {  	_ =	swait.ge [sflag:s22], $0x8000  }
0x1a4: {  	[sflag:s22] =	ssyncset.done $0x0  }
0x1a5: {  	[sflag:s22] =	ssyncadd.s32 $0xFFFF8000  }
0x1a6: {  	p0 =	sne.s32 s19, $0x1;
	_ =	swait.ge [sflag:s9], $0x8000  }
.Ltmp0:
0x1a7: {  	[sflag:s9] =	ssyncset.done $0x0;
	(pc) =	sbr.rel @p0 .LBB2_1-.Ltmp0, $4  }
0x1a8: {  	[sflag:s9] =	ssyncadd.s32 $0xFFFF8000  }
0x1a9: {  	_ =	swait.ge [sflag:s9], $0x8000  }
0x1aa: {  	[sflag:s9] =	ssyncset.done $0x0  }
0x1ab: {  	s19 =	sadd.s32 $0xFFFFFFFF, s19;
	[sflag:s9] =	ssyncadd.s32 $0xFFFF8000  }
0x1ac: {  	_ =	sfence.sel $0x180000  }
0x1ad: {  	[bflag:$0x0] =	sbarrier.arrive $0xFFFF  }
0x1ae: {  	_ =	strace $0x90000047  }
0x1af: {  	s0 =	stileid.u32;
	[bflag:$0x2] =	sbarrier.arrive $0xFFFF  }
0x1b0: {  	p0 =	sne.s32 s0, $0x0;
	s0 =	rddreg [dreg:$0x3]  }
0x1b1: {  	s0 =	sadd.s32 @!p0 $0x100000, s0  }
0x1b2: {  	[sflag:s0] =	ssyncadd.tile.s32 @!p0 $0x1;
	_ =	shalt  }
.Lfunc_end2:
_tile_overlayer_lowered:
.L_overlay_start_2:
0x1b3: {  	(tag) =	ssettag $0x2  }
0x1b4: {  	s0 =	rddreg [dreg:$0x0];
	s2 =	stileid.u32  }
0x1b5: {  	s1 =	rddreg [dreg:$0x1];
	p0 =	sne.s32 s2, $0x0  }
0x1b6: {  	s3 =	rddreg [dreg:$0x2];
	[bflag:$0x3] =	sbarrier.arrive $0xFFFF;
	s2 =	simm.s32 @!p0 $0x1C05  }
0x1b7: {  	[timem:s3], [sflag:s2] =	dma.local @!p0 [hbm:s0], s1  }
0x1b8: {  	s0 =	simm.s32 @!p0 $0x5  }
0x1b9: {  	_ =	swait.ge @!p0 [sflag:s0], s1  }
0x1ba: {  	s1 =	ssub.s32 @!p0 $0x0, s1;
	[sflag:s0] =	ssyncset.done @!p0 $0x0  }
0x1bb: {  	[sflag:s0] =	ssyncadd.s32 @!p0 s1  }
0x1bc: {  	[bflag:$0x3] =	sbarrier.arrive $0xFFFF  }
0x1bd: {  	_ =	shalt  }

</sc_bundles>
